<compile_context>
chip_gen: v7x
topology: tpu7x:2x2x1
jax: 0.10.2.dev20260603
libtpu: 0.0.44.dev20260713+nightly
codegen_flags: <defaults>
</compile_context>

<pallas_src>
import functools

import jax
import jax.numpy as jnp
from jax import lax
from jax.experimental import pallas as pl
from jax.experimental.pallas import tpu as pltpu
from jax.experimental.pallas import tpu_sc as plsc

N = 10000
D = 128
E = 320000

NC = 2
NS = 16
NW = NC * NS
EPW = E // NW
CH = 80
SB = 25
NSB = EPW // (SB * CH)
NPAD = 10240
NPT = NPAD // NS
NBUF = 4

_mesh = plsc.VectorSubcoreMesh(
    core_axis_name="c", subcore_axis_name="s", num_cores=NC, num_subcores=NS
)


@functools.partial(
    pl.kernel,
    out_type=jax.ShapeDtypeStruct((NC, NPAD, D), jnp.float32),
    mesh=_mesh,
    scratch_types=[
        pltpu.VMEM((SB, CH), jnp.int32),
        pltpu.VMEM((CH, D), jnp.float32),
        pltpu.SemaphoreType.DMA((NBUF,)),
        pltpu.VMEM_SHARED((NPAD, D), jnp.float32),
    ],
)
def _sc_degree(dst_hbm, ones_hbm, zeros_hbm, out_hbm, didx_v, ones_v, ssem,
               acc_sh):
    cid = lax.axis_index("c")
    sid = lax.axis_index("s")
    wid = sid * NC + cid
    pltpu.sync_copy(ones_hbm, ones_v)
    pltpu.sync_copy(zeros_hbm, acc_sh.at[pl.ds(sid * NPT, NPT)])
    plsc.subcore_barrier()

    def outer(ob, carry):
        pltpu.sync_copy(dst_hbm.at[wid, ob], didx_v)

        def body(j, carry2):
            descs = [
                pltpu.async_copy(
                    ones_v, acc_sh.at[didx_v.at[j * NBUF + b]], ssem.at[b],
                    add=True)
                for b in range(NBUF)
            ]
            for d in descs:
                d.wait()
            return carry2

        lax.fori_loop(0, SB // NBUF, body, 0)
        for c in range(SB - SB % NBUF, SB):
            pltpu.sync_copy(ones_v, acc_sh.at[didx_v.at[c]], add=True)
        return carry

    lax.fori_loop(0, NSB, outer, 0)
    plsc.subcore_barrier()
    pltpu.sync_copy(
        acc_sh.at[pl.ds(sid * NPT, NPT)],
        out_hbm.at[cid, pl.ds(sid * NPT, NPT)],
    )


@functools.partial(
    pl.kernel,
    out_type=jax.ShapeDtypeStruct((NC, NPAD, D), jnp.float32),
    mesh=_mesh,
    scratch_types=[
        pltpu.VMEM((SB, CH), jnp.int32),
        pltpu.VMEM((SB, CH), jnp.int32),
        pltpu.VMEM((NBUF, CH, D), jnp.float32),
        pltpu.SemaphoreType.DMA((NBUF,)),
        pltpu.SemaphoreType.DMA((NBUF,)),
        pltpu.VMEM_SHARED((NPAD, D), jnp.float32),
    ],
)
def _sc_scatter(y_hbm, src_hbm, dst_hbm, zeros_hbm, out_hbm,
                sidx_v, didx_v, rows_v, gsem, ssem, acc_sh):
    cid = lax.axis_index("c")
    sid = lax.axis_index("s")
    wid = sid * NC + cid
    pltpu.sync_copy(zeros_hbm, acc_sh.at[pl.ds(sid * NPT, NPT)])
    plsc.subcore_barrier()

    def gather(c, b):
        return pltpu.async_copy(y_hbm.at[sidx_v.at[c]], rows_v.at[b],
                                gsem.at[b])

    def outer(ob, carry):
        pltpu.sync_copy(src_hbm.at[wid, ob], sidx_v)
        pltpu.sync_copy(dst_hbm.at[wid, ob], didx_v)
        for b in range(NBUF):
            gather(b, b)

        def body(c, carry2):
            b = lax.rem(c, NBUF)
            for bb in range(NBUF):

                @pl.when(b == bb)
                def _():
                    pltpu.make_async_copy(y_hbm.at[sidx_v.at[c]],
                                          rows_v.at[bb], gsem.at[bb]).wait()
                    pltpu.async_copy(rows_v.at[bb], acc_sh.at[didx_v.at[c]],
                                     ssem.at[bb], add=True)

                    @pl.when(c + NBUF < SB)
                    def _():
                        pltpu.make_async_copy(
                            rows_v.at[bb], acc_sh.at[didx_v.at[c]],
                            ssem.at[bb]).wait()
                        gather(c + NBUF, bb)

            return carry2

        lax.fori_loop(0, SB, body, 0)
        for c in range(SB - NBUF, SB):
            b = c % NBUF
            pltpu.make_async_copy(rows_v.at[b], acc_sh.at[didx_v.at[c]],
                                  ssem.at[b]).wait()
        return carry

    lax.fori_loop(0, NSB, outer, 0)
    plsc.subcore_barrier()
    pltpu.sync_copy(
        acc_sh.at[pl.ds(sid * NPT, NPT)],
        out_hbm.at[cid, pl.ds(sid * NPT, NPT)],
    )


_BLK = 1000


def _linear_body(deg_ref, x_ref, w_ref, y_ref):
    deg = deg_ref[0] + deg_ref[1] + 1.0
    dinv = lax.rsqrt(deg)
    xw = jnp.dot(x_ref[...], w_ref[...], preferred_element_type=jnp.float32)
    y_ref[...] = xw * dinv


def _finish_body(deg_ref, acc_ref, y_ref, b_ref, o_ref):
    deg = deg_ref[0] + deg_ref[1] + 1.0
    dinv = lax.rsqrt(deg)
    s = acc_ref[0] + acc_ref[1] + y_ref[...]
    o_ref[...] = jnp.maximum(s * dinv + b_ref[...], 0.0)


def kernel(x, edge_index, W, b):
    src = edge_index[0].reshape(NW, NSB, SB, CH)
    dst = edge_index[1].reshape(NW, NSB, SB, CH)
    ones_rows = jnp.ones((CH, D), jnp.float32)
    zeros_rows = jnp.zeros((NPT, D), jnp.float32)

    deg = _sc_degree(dst, ones_rows, zeros_rows)

    y = pl.pallas_call(
        _linear_body,
        grid=(N // _BLK,),
        in_specs=[
            pl.BlockSpec((NC, _BLK, D), lambda i: (0, i, 0)),
            pl.BlockSpec((_BLK, D), lambda i: (i, 0)),
            pl.BlockSpec((D, D), lambda i: (0, 0)),
        ],
        out_specs=pl.BlockSpec((_BLK, D), lambda i: (i, 0)),
        out_shape=jax.ShapeDtypeStruct((N, D), jnp.float32),
    )(deg, x, W)

    acc = _sc_scatter(y, src, dst, zeros_rows)

    out = pl.pallas_call(
        _finish_body,
        grid=(N // _BLK,),
        in_specs=[
            pl.BlockSpec((NC, _BLK, D), lambda i: (0, i, 0)),
            pl.BlockSpec((NC, _BLK, D), lambda i: (0, i, 0)),
            pl.BlockSpec((_BLK, D), lambda i: (i, 0)),
            pl.BlockSpec((1, D), lambda i: (0, 0)),
        ],
        out_specs=pl.BlockSpec((_BLK, D), lambda i: (i, 0)),
        out_shape=jax.ShapeDtypeStruct((N, D), jnp.float32),
    )(deg, acc, y, b.reshape(1, D))
    return out

# --- scband reference (transcript-rebuilt; emitter-appended) ---
"""Pipeline reference for scband-graph-model-60576218743197 (READ-ONLY COPY).

The authoritative reference and input builder live on the scoring server;
editing this copy changes nothing except your own understanding.
"""

import jax, jax.numpy as jnp
import numpy as np

N_NODES = 10000
D_FEAT = 128
N_EDGES = 320000


def setup_inputs(seed: int = 0) -> dict:
    key = jax.random.key(seed)
    k1, k2, k3 = jax.random.split(key, 3)
    x = jax.random.normal(k1, (N_NODES, D_FEAT), dtype=jnp.float32)
    edge_index = jax.random.randint(k2, (2, N_EDGES), 0, N_NODES, dtype=jnp.int32)
    # GCNConv learned params: weight [in, out] and bias [out]
    W = jax.random.normal(k3, (D_FEAT, D_FEAT), dtype=jnp.float32) * (1.0 / np.sqrt(D_FEAT))
    b = jnp.zeros((D_FEAT,), dtype=jnp.float32)
    return {"x": x, "edge_index": edge_index, "W": W, "b": b}


def reference(x, edge_index, W, b):
    # Faithful GCNConv (PyG defaults): add self-loops, symmetric deg normalization,
    # linear transform, scatter-add aggregation, bias, then ReLU (from GraphModel.forward).
    N = x.shape[0]
    src = edge_index[0]
    dst = edge_index[1]
    loop = jnp.arange(N, dtype=src.dtype)
    src = jnp.concatenate([src, loop])
    dst = jnp.concatenate([dst, loop])
    ones = jnp.ones_like(dst, dtype=x.dtype)
    deg = jax.ops.segment_sum(ones, dst, num_segments=N)
    deg_inv_sqrt = jnp.where(deg > 0, jax.lax.rsqrt(jnp.maximum(deg, 1e-12)), 0.0)
    norm = deg_inv_sqrt[src] * deg_inv_sqrt[dst]
    xw = x @ W
    msgs = jnp.take(xw, src, axis=0) * norm[:, None]
    agg = jax.ops.segment_sum(msgs, dst, num_segments=N)
    out = agg + b
    return jax.nn.relu(out)

if __name__ == "__main__":
    import jax
    _d = setup_inputs()
    print(jax.jit(kernel)(*tuple(_d.values())))

</pallas_src>

<mosaic_0001>
#map = affine_map<(d0, d1) -> (0, 0)>
#map1 = affine_map<(d0, d1) -> (0, 0, 0, 0)>
#map2 = affine_map<(d0, d1) -> (0, 0, 0)>
module attributes {stable_mosaic.version = 14 : i64} {
  func.func @_sc_scatter(%arg0: i32, %arg1: i32, %arg2: memref<10000x128xf32, #tpu.memory_space<hbm>>, %arg3: memref<32x5x25x80xi32, #tpu.memory_space<hbm>>, %arg4: memref<32x5x25x80xi32, #tpu.memory_space<hbm>>, %arg5: memref<640x128xf32, #tpu.memory_space<hbm>>, %arg6: memref<2x10240x128xf32, #tpu.memory_space<hbm>>, %arg7: memref<25x80xi32, #tpu.memory_space<vmem>>, %arg8: memref<25x80xi32, #tpu.memory_space<vmem>>, %arg9: memref<4x80x128xf32, #tpu.memory_space<vmem>>, %arg10: memref<4x!tpu.dma_semaphore, #tpu.memory_space<semaphore_mem>>, %arg11: memref<4x!tpu.dma_semaphore, #tpu.memory_space<semaphore_mem>>, %arg12: memref<10240x128xf32, #tpu.memory_space<vmem_shared>>) attributes {dimension_semantics = [#tpu.dimension_semantics<core_parallel>, #tpu.dimension_semantics<subcore_parallel>], iteration_bounds = array<i64: 2, 16>, scalar_prefetch = 0 : i64, scratch_operands = 6 : i64, tpu.core_type = #tpu.core_type<sc_vector_subcore>, window_params = [{transform_indices = #map}, {transform_indices = #map1}, {transform_indices = #map1}, {transform_indices = #map}, {transform_indices = #map2}]} {
    %mul3A = arith.constant 2 : i32
    %mul3A_0 = arith.muli %arg1, %mul3A : i32
    %add3A = arith.addi %mul3A_0, %arg0 : i32
    %mul3A_1 = arith.constant 640 : i32
    %mul3A_2 = arith.muli %arg1, %mul3A_1 : i32
    "tpu.region"() ({
      %run_scoped3A = tpu.sem_alloc : memref<!tpu.dma_semaphore, #tpu.memory_space<semaphore_mem>>
      %dma_start3A = arith.constant 0 : i32
      %dma_start3A_13 = tpu.memref_slice %arg12[%mul3A_2, %dma_start3A] : memref<10240x128xf32, #tpu.memory_space<vmem_shared>> -> memref<640x128xf32, #tpu.memory_space<vmem_shared>>
      tpu.enqueue_dma source(%arg5 : memref<640x128xf32, #tpu.memory_space<hbm>>) target(%dma_start3A_13 : memref<640x128xf32, #tpu.memory_space<vmem_shared>>) target_semaphore(%run_scoped3A : memref<!tpu.dma_semaphore, #tpu.memory_space<semaphore_mem>>)
      %dma_wait3A = arith.constant 0 : i32
      %dma_wait3A_14 = tpu.memref_slice %arg12[%mul3A_2, %dma_wait3A] : memref<10240x128xf32, #tpu.memory_space<vmem_shared>> -> memref<640x128xf32, #tpu.memory_space<vmem_shared>>
      tpu.wait_dma2 semaphore(%run_scoped3A : memref<!tpu.dma_semaphore, #tpu.memory_space<semaphore_mem>>) src(%arg5 : memref<640x128xf32, #tpu.memory_space<hbm>>) dst(%dma_wait3A_14 : memref<640x128xf32, #tpu.memory_space<vmem_shared>>)
      tpu.yield
    }) : () -> ()
    %barrier3A = arith.constant 0 : index
    tpu.barrier barrier_id(%barrier3A)
    %scan3A = arith.constant 0 : i32
    %scan3A_3 = arith.constant 0 : i32
    %scan3A_4 = arith.constant 5 : i32
    %scan3A_5 = arith.addi %scan3A_3, %scan3A_4 : i32
    %scan3A_6 = arith.constant 1 : i32
    scf.for %scan3A_13 = %scan3A_3 to %scan3A_5 step %scan3A_6  : i32 {
      "tpu.region"() ({
        %run_scoped3A = tpu.sem_alloc : memref<!tpu.dma_semaphore, #tpu.memory_space<semaphore_mem>>
        %dma_start3A_138 = arith.constant 0 : i32
        %dma_start3A_139 = arith.constant 0 : i32
        %dma_start3A_140 = tpu.memref_slice %arg3[%add3A, %scan3A_13, %dma_start3A_138, %dma_start3A_139] : memref<32x5x25x80xi32, #tpu.memory_space<hbm>> -> memref<1x1x25x80xi32, #tpu.memory_space<hbm>>
        %dma_start3A_141 = tpu.memref_squeeze %dma_start3A_140 : memref<1x1x25x80xi32, #tpu.memory_space<hbm>> -> memref<25x80xi32, #tpu.memory_space<hbm>>
        %dma_start3A_142 = arith.constant 0 : i32
        %dma_start3A_143 = arith.constant 0 : i32
        %dma_start3A_144 = tpu.memref_slice %arg3[%add3A, %scan3A_13, %dma_start3A_142, %dma_start3A_143] : memref<32x5x25x80xi32, #tpu.memory_space<hbm>> -> memref<1x1x25x80xi32, #tpu.memory_space<hbm>>
        %dma_start3A_145 = tpu.memref_squeeze %dma_start3A_144 : memref<1x1x25x80xi32, #tpu.memory_space<hbm>> -> memref<25x80xi32, #tpu.memory_space<hbm>>
        tpu.enqueue_dma source(%dma_start3A_145 : memref<25x80xi32, #tpu.memory_space<hbm>>) target(%arg7 : memref<25x80xi32, #tpu.memory_space<vmem>>) target_semaphore(%run_scoped3A : memref<!tpu.dma_semaphore, #tpu.memory_space<semaphore_mem>>)
        %dma_wait3A_146 = arith.constant 0 : i32
        %dma_wait3A_147 = arith.constant 0 : i32
        %dma_wait3A_148 = tpu.memref_slice %arg3[%add3A, %scan3A_13, %dma_wait3A_146, %dma_wait3A_147] : memref<32x5x25x80xi32, #tpu.memory_space<hbm>> -> memref<1x1x25x80xi32, #tpu.memory_space<hbm>>
        %dma_wait3A_149 = tpu.memref_squeeze %dma_wait3A_148 : memref<1x1x25x80xi32, #tpu.memory_space<hbm>> -> memref<25x80xi32, #tpu.memory_space<hbm>>
        %dma_wait3A_150 = arith.constant 0 : i32
        %dma_wait3A_151 = arith.constant 0 : i32
        %dma_wait3A_152 = tpu.memref_slice %arg3[%add3A, %scan3A_13, %dma_wait3A_150, %dma_wait3A_151] : memref<32x5x25x80xi32, #tpu.memory_space<hbm>> -> memref<1x1x25x80xi32, #tpu.memory_space<hbm>>
        %dma_wait3A_153 = tpu.memref_squeeze %dma_wait3A_152 : memref<1x1x25x80xi32, #tpu.memory_space<hbm>> -> memref<25x80xi32, #tpu.memory_space<hbm>>
        tpu.wait_dma2 semaphore(%run_scoped3A : memref<!tpu.dma_semaphore, #tpu.memory_space<semaphore_mem>>) src(%dma_wait3A_153 : memref<25x80xi32, #tpu.memory_space<hbm>>) dst(%arg7 : memref<25x80xi32, #tpu.memory_space<vmem>>)
        tpu.yield
      }) : () -> ()
      "tpu.region"() ({
        %run_scoped3A = tpu.sem_alloc : memref<!tpu.dma_semaphore, #tpu.memory_space<semaphore_mem>>
        %dma_start3A_138 = arith.constant 0 : i32
        %dma_start3A_139 = arith.constant 0 : i32
        %dma_start3A_140 = tpu.memref_slice %arg4[%add3A, %scan3A_13, %dma_start3A_138, %dma_start3A_139] : memref<32x5x25x80xi32, #tpu.memory_space<hbm>> -> memref<1x1x25x80xi32, #tpu.memory_space<hbm>>
        %dma_start3A_141 = tpu.memref_squeeze %dma_start3A_140 : memref<1x1x25x80xi32, #tpu.memory_space<hbm>> -> memref<25x80xi32, #tpu.memory_space<hbm>>
        %dma_start3A_142 = arith.constant 0 : i32
        %dma_start3A_143 = arith.constant 0 : i32
        %dma_start3A_144 = tpu.memref_slice %arg4[%add3A, %scan3A_13, %dma_start3A_142, %dma_start3A_143] : memref<32x5x25x80xi32, #tpu.memory_space<hbm>> -> memref<1x1x25x80xi32, #tpu.memory_space<hbm>>
        %dma_start3A_145 = tpu.memref_squeeze %dma_start3A_144 : memref<1x1x25x80xi32, #tpu.memory_space<hbm>> -> memref<25x80xi32, #tpu.memory_space<hbm>>
        tpu.enqueue_dma source(%dma_start3A_145 : memref<25x80xi32, #tpu.memory_space<hbm>>) target(%arg8 : memref<25x80xi32, #tpu.memory_space<vmem>>) target_semaphore(%run_scoped3A : memref<!tpu.dma_semaphore, #tpu.memory_space<semaphore_mem>>)
        %dma_wait3A_146 = arith.constant 0 : i32
        %dma_wait3A_147 = arith.constant 0 : i32
        %dma_wait3A_148 = tpu.memref_slice %arg4[%add3A, %scan3A_13, %dma_wait3A_146, %dma_wait3A_147] : memref<32x5x25x80xi32, #tpu.memory_space<hbm>> -> memref<1x1x25x80xi32, #tpu.memory_space<hbm>>
        %dma_wait3A_149 = tpu.memref_squeeze %dma_wait3A_148 : memref<1x1x25x80xi32, #tpu.memory_space<hbm>> -> memref<25x80xi32, #tpu.memory_space<hbm>>
        %dma_wait3A_150 = arith.constant 0 : i32
        %dma_wait3A_151 = arith.constant 0 : i32
        %dma_wait3A_152 = tpu.memref_slice %arg4[%add3A, %scan3A_13, %dma_wait3A_150, %dma_wait3A_151] : memref<32x5x25x80xi32, #tpu.memory_space<hbm>> -> memref<1x1x25x80xi32, #tpu.memory_space<hbm>>
        %dma_wait3A_153 = tpu.memref_squeeze %dma_wait3A_152 : memref<1x1x25x80xi32, #tpu.memory_space<hbm>> -> memref<25x80xi32, #tpu.memory_space<hbm>>
        tpu.wait_dma2 semaphore(%run_scoped3A : memref<!tpu.dma_semaphore, #tpu.memory_space<semaphore_mem>>) src(%dma_wait3A_153 : memref<25x80xi32, #tpu.memory_space<hbm>>) dst(%arg8 : memref<25x80xi32, #tpu.memory_space<vmem>>)
        tpu.yield
      }) : () -> ()
      %dma_start3A = arith.constant 0 : i32
      %dma_start3A_14 = arith.constant 0 : i32
      %dma_start3A_15 = arith.constant 0 : i32
      %dma_start3A_16 = arith.constant 0 : i32
      %dma_start3A_17 = arith.constant 0 : i32
      %dma_start3A_18 = tpu.memref_slice %arg9[%dma_start3A_14, %dma_start3A_16, %dma_start3A_17] : memref<4x80x128xf32, #tpu.memory_space<vmem>> -> memref<1x80x128xf32, #tpu.memory_space<vmem>>
      %dma_start3A_19 = tpu.memref_squeeze %dma_start3A_18 : memref<1x80x128xf32, #tpu.memory_space<vmem>> -> memref<80x128xf32, #tpu.memory_space<vmem>>
      %dma_start3A_20 = arith.constant 0 : i32
      %dma_start3A_21 = tpu.memref_slice %arg7[%dma_start3A, %dma_start3A_20] : memref<25x80xi32, #tpu.memory_space<vmem>> -> memref<1x80xi32, #tpu.memory_space<vmem>>
      %dma_start3A_22 = tpu.memref_squeeze %dma_start3A_21 : memref<1x80xi32, #tpu.memory_space<vmem>> -> memref<80xi32, #tpu.memory_space<vmem>>
      %dma_start3A_23 = arith.constant 0 : i32
      %dma_start3A_24 = arith.constant 0 : i32
      %dma_start3A_25 = tpu.memref_slice %arg2[%dma_start3A_23, %dma_start3A_24] : memref<10000x128xf32, #tpu.memory_space<hbm>> -> memref<10000x128xf32, #tpu.memory_space<hbm>>
      %dma_start3A_26 = tpu.memref_slice %arg10[%dma_start3A_15] : memref<4x!tpu.dma_semaphore, #tpu.memory_space<semaphore_mem>> -> memref<1x!tpu.dma_semaphore, #tpu.memory_space<semaphore_mem>>
      %dma_start3A_27 = tpu.memref_squeeze %dma_start3A_26 : memref<1x!tpu.dma_semaphore, #tpu.memory_space<semaphore_mem>> -> memref<!tpu.dma_semaphore, #tpu.memory_space<semaphore_mem>>
      tpu.enqueue_indirect_dma source(%dma_start3A_25 : memref<10000x128xf32, #tpu.memory_space<hbm>>) target(%dma_start3A_19 : memref<80x128xf32, #tpu.memory_space<vmem>>) offsets(%dma_start3A_22 : memref<80xi32, #tpu.memory_space<vmem>>) semaphore(%dma_start3A_27 : memref<!tpu.dma_semaphore, #tpu.memory_space<semaphore_mem>>)
      %dma_start3A_28 = arith.constant 1 : i32
      %dma_start3A_29 = arith.constant 1 : i32
      %dma_start3A_30 = arith.constant 1 : i32
      %dma_start3A_31 = arith.constant 0 : i32
      %dma_start3A_32 = arith.constant 0 : i32
      %dma_start3A_33 = tpu.memref_slice %arg9[%dma_start3A_29, %dma_start3A_31, %dma_start3A_32] : memref<4x80x128xf32, #tpu.memory_space<vmem>> -> memref<1x80x128xf32, #tpu.memory_space<vmem>>
      %dma_start3A_34 = tpu.memref_squeeze %dma_start3A_33 : memref<1x80x128xf32, #tpu.memory_space<vmem>> -> memref<80x128xf32, #tpu.memory_space<vmem>>
      %dma_start3A_35 = arith.constant 0 : i32
      %dma_start3A_36 = tpu.memref_slice %arg7[%dma_start3A_28, %dma_start3A_35] : memref<25x80xi32, #tpu.memory_space<vmem>> -> memref<1x80xi32, #tpu.memory_space<vmem>>
      %dma_start3A_37 = tpu.memref_squeeze %dma_start3A_36 : memref<1x80xi32, #tpu.memory_space<vmem>> -> memref<80xi32, #tpu.memory_space<vmem>>
      %dma_start3A_38 = arith.constant 0 : i32
      %dma_start3A_39 = arith.constant 0 : i32
      %dma_start3A_40 = tpu.memref_slice %arg2[%dma_start3A_38, %dma_start3A_39] : memref<10000x128xf32, #tpu.memory_space<hbm>> -> memref<10000x128xf32, #tpu.memory_space<hbm>>
      %dma_start3A_41 = tpu.memref_slice %arg10[%dma_start3A_30] : memref<4x!tpu.dma_semaphore, #tpu.memory_space<semaphore_mem>> -> memref<1x!tpu.dma_semaphore, #tpu.memory_space<semaphore_mem>>
      %dma_start3A_42 = tpu.memref_squeeze %dma_start3A_41 : memref<1x!tpu.dma_semaphore, #tpu.memory_space<semaphore_mem>> -> memref<!tpu.dma_semaphore, #tpu.memory_space<semaphore_mem>>
      tpu.enqueue_indirect_dma source(%dma_start3A_40 : memref<10000x128xf32, #tpu.memory_space<hbm>>) target(%dma_start3A_34 : memref<80x128xf32, #tpu.memory_space<vmem>>) offsets(%dma_start3A_37 : memref<80xi32, #tpu.memory_space<vmem>>) semaphore(%dma_start3A_42 : memref<!tpu.dma_semaphore, #tpu.memory_space<semaphore_mem>>)
      %dma_start3A_43 = arith.constant 2 : i32
      %dma_start3A_44 = arith.constant 2 : i32
      %dma_start3A_45 = arith.constant 2 : i32
      %dma_start3A_46 = arith.constant 0 : i32
      %dma_start3A_47 = arith.constant 0 : i32
      %dma_start3A_48 = tpu.memref_slice %arg9[%dma_start3A_44, %dma_start3A_46, %dma_start3A_47] : memref<4x80x128xf32, #tpu.memory_space<vmem>> -> memref<1x80x128xf32, #tpu.memory_space<vmem>>
      %dma_start3A_49 = tpu.memref_squeeze %dma_start3A_48 : memref<1x80x128xf32, #tpu.memory_space<vmem>> -> memref<80x128xf32, #tpu.memory_space<vmem>>
      %dma_start3A_50 = arith.constant 0 : i32
      %dma_start3A_51 = tpu.memref_slice %arg7[%dma_start3A_43, %dma_start3A_50] : memref<25x80xi32, #tpu.memory_space<vmem>> -> memref<1x80xi32, #tpu.memory_space<vmem>>
      %dma_start3A_52 = tpu.memref_squeeze %dma_start3A_51 : memref<1x80xi32, #tpu.memory_space<vmem>> -> memref<80xi32, #tpu.memory_space<vmem>>
      %dma_start3A_53 = arith.constant 0 : i32
      %dma_start3A_54 = arith.constant 0 : i32
      %dma_start3A_55 = tpu.memref_slice %arg2[%dma_start3A_53, %dma_start3A_54] : memref<10000x128xf32, #tpu.memory_space<hbm>> -> memref<10000x128xf32, #tpu.memory_space<hbm>>
      %dma_start3A_56 = tpu.memref_slice %arg10[%dma_start3A_45] : memref<4x!tpu.dma_semaphore, #tpu.memory_space<semaphore_mem>> -> memref<1x!tpu.dma_semaphore, #tpu.memory_space<semaphore_mem>>
      %dma_start3A_57 = tpu.memref_squeeze %dma_start3A_56 : memref<1x!tpu.dma_semaphore, #tpu.memory_space<semaphore_mem>> -> memref<!tpu.dma_semaphore, #tpu.memory_space<semaphore_mem>>
      tpu.enqueue_indirect_dma source(%dma_start3A_55 : memref<10000x128xf32, #tpu.memory_space<hbm>>) target(%dma_start3A_49 : memref<80x128xf32, #tpu.memory_space<vmem>>) offsets(%dma_start3A_52 : memref<80xi32, #tpu.memory_space<vmem>>) semaphore(%dma_start3A_57 : memref<!tpu.dma_semaphore, #tpu.memory_space<semaphore_mem>>)
      %dma_start3A_58 = arith.constant 3 : i32
      %dma_start3A_59 = arith.constant 3 : i32
      %dma_start3A_60 = arith.constant 3 : i32
      %dma_start3A_61 = arith.constant 0 : i32
      %dma_start3A_62 = arith.constant 0 : i32
      %dma_start3A_63 = tpu.memref_slice %arg9[%dma_start3A_59, %dma_start3A_61, %dma_start3A_62] : memref<4x80x128xf32, #tpu.memory_space<vmem>> -> memref<1x80x128xf32, #tpu.memory_space<vmem>>
      %dma_start3A_64 = tpu.memref_squeeze %dma_start3A_63 : memref<1x80x128xf32, #tpu.memory_space<vmem>> -> memref<80x128xf32, #tpu.memory_space<vmem>>
      %dma_start3A_65 = arith.constant 0 : i32
      %dma_start3A_66 = tpu.memref_slice %arg7[%dma_start3A_58, %dma_start3A_65] : memref<25x80xi32, #tpu.memory_space<vmem>> -> memref<1x80xi32, #tpu.memory_space<vmem>>
      %dma_start3A_67 = tpu.memref_squeeze %dma_start3A_66 : memref<1x80xi32, #tpu.memory_space<vmem>> -> memref<80xi32, #tpu.memory_space<vmem>>
      %dma_start3A_68 = arith.constant 0 : i32
      %dma_start3A_69 = arith.constant 0 : i32
      %dma_start3A_70 = tpu.memref_slice %arg2[%dma_start3A_68, %dma_start3A_69] : memref<10000x128xf32, #tpu.memory_space<hbm>> -> memref<10000x128xf32, #tpu.memory_space<hbm>>
      %dma_start3A_71 = tpu.memref_slice %arg10[%dma_start3A_60] : memref<4x!tpu.dma_semaphore, #tpu.memory_space<semaphore_mem>> -> memref<1x!tpu.dma_semaphore, #tpu.memory_space<semaphore_mem>>
      %dma_start3A_72 = tpu.memref_squeeze %dma_start3A_71 : memref<1x!tpu.dma_semaphore, #tpu.memory_space<semaphore_mem>> -> memref<!tpu.dma_semaphore, #tpu.memory_space<semaphore_mem>>
      tpu.enqueue_indirect_dma source(%dma_start3A_70 : memref<10000x128xf32, #tpu.memory_space<hbm>>) target(%dma_start3A_64 : memref<80x128xf32, #tpu.memory_space<vmem>>) offsets(%dma_start3A_67 : memref<80xi32, #tpu.memory_space<vmem>>) semaphore(%dma_start3A_72 : memref<!tpu.dma_semaphore, #tpu.memory_space<semaphore_mem>>)
      %scan3A_73 = arith.constant 0 : i32
      %scan3A_74 = arith.constant 0 : i32
      %scan3A_75 = arith.constant 25 : i32
      %scan3A_76 = arith.addi %scan3A_74, %scan3A_75 : i32
      %scan3A_77 = arith.constant 1 : i32
      scf.for %scan3A_138 = %scan3A_74 to %scan3A_76 step %scan3A_77  : i32 {
        %rem3A = arith.constant 4 : i32
        %rem3A_139 = arith.remsi %scan3A_138, %rem3A : i32
        %eq3A = arith.constant 0 : i32
        %eq3A_140 = arith.cmpi eq, %rem3A_139, %eq3A : i32
        %convert_element_type3A = arith.extui %eq3A_140 : i1 to i32
        %cond3A = arith.constant 0 : i32
        %cond3A_141 = arith.cmpi ne, %convert_element_type3A, %cond3A : i32
        scf.if %cond3A_141 {
          %dma_wait3A_157 = arith.constant 0 : i32
          %dma_wait3A_158 = arith.constant 0 : i32
          %dma_wait3A_159 = arith.constant 0 : i32
          %dma_wait3A_160 = arith.constant 0 : i32
          %dma_wait3A_161 = tpu.memref_slice %arg9[%dma_wait3A_157, %dma_wait3A_159, %dma_wait3A_160] : memref<4x80x128xf32, #tpu.memory_space<vmem>> -> memref<1x80x128xf32, #tpu.memory_space<vmem>>
          %dma_wait3A_162 = tpu.memref_squeeze %dma_wait3A_161 : memref<1x80x128xf32, #tpu.memory_space<vmem>> -> memref<80x128xf32, #tpu.memory_space<vmem>>
          %dma_wait3A_163 = arith.constant 0 : i32
          %dma_wait3A_164 = tpu.memref_slice %arg7[%scan3A_138, %dma_wait3A_163] : memref<25x80xi32, #tpu.memory_space<vmem>> -> memref<1x80xi32, #tpu.memory_space<vmem>>
          %dma_wait3A_165 = tpu.memref_squeeze %dma_wait3A_164 : memref<1x80xi32, #tpu.memory_space<vmem>> -> memref<80xi32, #tpu.memory_space<vmem>>
          %dma_wait3A_166 = arith.constant 0 : i32
          %dma_wait3A_167 = arith.constant 0 : i32
          %dma_wait3A_168 = tpu.memref_slice %arg2[%dma_wait3A_166, %dma_wait3A_167] : memref<10000x128xf32, #tpu.memory_space<hbm>> -> memref<10000x128xf32, #tpu.memory_space<hbm>>
          %dma_wait3A_169 = tpu.memref_slice %arg10[%dma_wait3A_158] : memref<4x!tpu.dma_semaphore, #tpu.memory_space<semaphore_mem>> -> memref<1x!tpu.dma_semaphore, #tpu.memory_space<semaphore_mem>>
          %dma_wait3A_170 = tpu.memref_squeeze %dma_wait3A_169 : memref<1x!tpu.dma_semaphore, #tpu.memory_space<semaphore_mem>> -> memref<!tpu.dma_semaphore, #tpu.memory_space<semaphore_mem>>
          tpu.wait_indirect_dma semaphore(%dma_wait3A_170 : memref<!tpu.dma_semaphore, #tpu.memory_space<semaphore_mem>>) src(%dma_wait3A_168 : memref<10000x128xf32, #tpu.memory_space<hbm>>) dst(%dma_wait3A_162 : memref<80x128xf32, #tpu.memory_space<vmem>>)
          %dma_start3A_171 = arith.constant 0 : i32
          %dma_start3A_172 = arith.constant 0 : i32
          %dma_start3A_173 = arith.constant 0 : i32
          %dma_start3A_174 = arith.constant 0 : i32
          %dma_start3A_175 = tpu.memref_slice %arg9[%dma_start3A_171, %dma_start3A_173, %dma_start3A_174] : memref<4x80x128xf32, #tpu.memory_space<vmem>> -> memref<1x80x128xf32, #tpu.memory_space<vmem>>
          %dma_start3A_176 = tpu.memref_squeeze %dma_start3A_175 : memref<1x80x128xf32, #tpu.memory_space<vmem>> -> memref<80x128xf32, #tpu.memory_space<vmem>>
          %dma_start3A_177 = arith.constant 0 : i32
          %dma_start3A_178 = tpu.memref_slice %arg8[%scan3A_138, %dma_start3A_177] : memref<25x80xi32, #tpu.memory_space<vmem>> -> memref<1x80xi32, #tpu.memory_space<vmem>>
          %dma_start3A_179 = tpu.memref_squeeze %dma_start3A_178 : memref<1x80xi32, #tpu.memory_space<vmem>> -> memref<80xi32, #tpu.memory_space<vmem>>
          %dma_start3A_180 = arith.constant 0 : i32
          %dma_start3A_181 = arith.constant 0 : i32
          %dma_start3A_182 = tpu.memref_slice %arg12[%dma_start3A_180, %dma_start3A_181] : memref<10240x128xf32, #tpu.memory_space<vmem_shared>> -> memref<10240x128xf32, #tpu.memory_space<vmem_shared>>
          %dma_start3A_183 = tpu.memref_slice %arg11[%dma_start3A_172] : memref<4x!tpu.dma_semaphore, #tpu.memory_space<semaphore_mem>> -> memref<1x!tpu.dma_semaphore, #tpu.memory_space<semaphore_mem>>
          %dma_start3A_184 = tpu.memref_squeeze %dma_start3A_183 : memref<1x!tpu.dma_semaphore, #tpu.memory_space<semaphore_mem>> -> memref<!tpu.dma_semaphore, #tpu.memory_space<semaphore_mem>>
          tpu.enqueue_indirect_dma source(%dma_start3A_176 : memref<80x128xf32, #tpu.memory_space<vmem>>) target(%dma_start3A_182 : memref<10240x128xf32, #tpu.memory_space<vmem_shared>>) offsets(%dma_start3A_179 : memref<80xi32, #tpu.memory_space<vmem>>) semaphore(%dma_start3A_184 : memref<!tpu.dma_semaphore, #tpu.memory_space<semaphore_mem>>) {add = true}
          %add3A_185 = arith.constant 4 : i32
          %add3A_186 = arith.addi %scan3A_138, %add3A_185 : i32
          %lt3A = arith.constant 25 : i32
          %lt3A_187 = arith.cmpi slt, %add3A_186, %lt3A : i32
          %convert_element_type3A_188 = arith.extui %lt3A_187 : i1 to i32
          %cond3A_189 = arith.constant 0 : i32
          %cond3A_190 = arith.cmpi ne, %convert_element_type3A_188, %cond3A_189 : i32
          scf.if %cond3A_190 {
            %dma_wait3A_191 = arith.constant 0 : i32
            %dma_wait3A_192 = arith.constant 0 : i32
            %dma_wait3A_193 = arith.constant 0 : i32
            %dma_wait3A_194 = arith.constant 0 : i32
            %dma_wait3A_195 = tpu.memref_slice %arg9[%dma_wait3A_191, %dma_wait3A_193, %dma_wait3A_194] : memref<4x80x128xf32, #tpu.memory_space<vmem>> -> memref<1x80x128xf32, #tpu.memory_space<vmem>>
            %dma_wait3A_196 = tpu.memref_squeeze %dma_wait3A_195 : memref<1x80x128xf32, #tpu.memory_space<vmem>> -> memref<80x128xf32, #tpu.memory_space<vmem>>
            %dma_wait3A_197 = arith.constant 0 : i32
            %dma_wait3A_198 = tpu.memref_slice %arg8[%scan3A_138, %dma_wait3A_197] : memref<25x80xi32, #tpu.memory_space<vmem>> -> memref<1x80xi32, #tpu.memory_space<vmem>>
            %dma_wait3A_199 = tpu.memref_squeeze %dma_wait3A_198 : memref<1x80xi32, #tpu.memory_space<vmem>> -> memref<80xi32, #tpu.memory_space<vmem>>
            %dma_wait3A_200 = arith.constant 0 : i32
            %dma_wait3A_201 = arith.constant 0 : i32
            %dma_wait3A_202 = tpu.memref_slice %arg12[%dma_wait3A_200, %dma_wait3A_201] : memref<10240x128xf32, #tpu.memory_space<vmem_shared>> -> memref<10240x128xf32, #tpu.memory_space<vmem_shared>>
            %dma_wait3A_203 = tpu.memref_slice %arg11[%dma_wait3A_192] : memref<4x!tpu.dma_semaphore, #tpu.memory_space<semaphore_mem>> -> memref<1x!tpu.dma_semaphore, #tpu.memory_space<semaphore_mem>>
            %dma_wait3A_204 = tpu.memref_squeeze %dma_wait3A_203 : memref<1x!tpu.dma_semaphore, #tpu.memory_space<semaphore_mem>> -> memref<!tpu.dma_semaphore, #tpu.memory_space<semaphore_mem>>
            tpu.wait_indirect_dma semaphore(%dma_wait3A_204 : memref<!tpu.dma_semaphore, #tpu.memory_space<semaphore_mem>>) src(%dma_wait3A_196 : memref<80x128xf32, #tpu.memory_space<vmem>>) dst(%dma_wait3A_202 : memref<10240x128xf32, #tpu.memory_space<vmem_shared>>)
            %add3A_205 = arith.constant 4 : i32
            %add3A_206 = arith.addi %scan3A_138, %add3A_205 : i32
            %dma_start3A_207 = arith.constant 0 : i32
            %dma_start3A_208 = arith.constant 0 : i32
            %dma_start3A_209 = arith.constant 0 : i32
            %dma_start3A_210 = arith.constant 0 : i32
            %dma_start3A_211 = tpu.memref_slice %arg9[%dma_start3A_207, %dma_start3A_209, %dma_start3A_210] : memref<4x80x128xf32, #tpu.memory_space<vmem>> -> memref<1x80x128xf32, #tpu.memory_space<vmem>>
            %dma_start3A_212 = tpu.memref_squeeze %dma_start3A_211 : memref<1x80x128xf32, #tpu.memory_space<vmem>> -> memref<80x128xf32, #tpu.memory_space<vmem>>
            %dma_start3A_213 = arith.constant 0 : i32
            %dma_start3A_214 = tpu.memref_slice %arg7[%add3A_206, %dma_start3A_213] : memref<25x80xi32, #tpu.memory_space<vmem>> -> memref<1x80xi32, #tpu.memory_space<vmem>>
            %dma_start3A_215 = tpu.memref_squeeze %dma_start3A_214 : memref<1x80xi32, #tpu.memory_space<vmem>> -> memref<80xi32, #tpu.memory_space<vmem>>
            %dma_start3A_216 = arith.constant 0 : i32
            %dma_start3A_217 = arith.constant 0 : i32
            %dma_start3A_218 = tpu.memref_slice %arg2[%dma_start3A_216, %dma_start3A_217] : memref<10000x128xf32, #tpu.memory_space<hbm>> -> memref<10000x128xf32, #tpu.memory_space<hbm>>
            %dma_start3A_219 = tpu.memref_slice %arg10[%dma_start3A_208] : memref<4x!tpu.dma_semaphore, #tpu.memory_space<semaphore_mem>> -> memref<1x!tpu.dma_semaphore, #tpu.memory_space<semaphore_mem>>
            %dma_start3A_220 = tpu.memref_squeeze %dma_start3A_219 : memref<1x!tpu.dma_semaphore, #tpu.memory_space<semaphore_mem>> -> memref<!tpu.dma_semaphore, #tpu.memory_space<semaphore_mem>>
            tpu.enqueue_indirect_dma source(%dma_start3A_218 : memref<10000x128xf32, #tpu.memory_space<hbm>>) target(%dma_start3A_212 : memref<80x128xf32, #tpu.memory_space<vmem>>) offsets(%dma_start3A_215 : memref<80xi32, #tpu.memory_space<vmem>>) semaphore(%dma_start3A_220 : memref<!tpu.dma_semaphore, #tpu.memory_space<semaphore_mem>>)
          } else {
          }
        } else {
        }
        %eq3A_142 = arith.constant 1 : i32
        %eq3A_143 = arith.cmpi eq, %rem3A_139, %eq3A_142 : i32
        %convert_element_type3A_144 = arith.extui %eq3A_143 : i1 to i32
        %cond3A_145 = arith.constant 0 : i32
        %cond3A_146 = arith.cmpi ne, %convert_element_type3A_144, %cond3A_145 : i32
        scf.if %cond3A_146 {
          %dma_wait3A_157 = arith.constant 1 : i32
          %dma_wait3A_158 = arith.constant 1 : i32
          %dma_wait3A_159 = arith.constant 0 : i32
          %dma_wait3A_160 = arith.constant 0 : i32
          %dma_wait3A_161 = tpu.memref_slice %arg9[%dma_wait3A_157, %dma_wait3A_159, %dma_wait3A_160] : memref<4x80x128xf32, #tpu.memory_space<vmem>> -> memref<1x80x128xf32, #tpu.memory_space<vmem>>
          %dma_wait3A_162 = tpu.memref_squeeze %dma_wait3A_161 : memref<1x80x128xf32, #tpu.memory_space<vmem>> -> memref<80x128xf32, #tpu.memory_space<vmem>>
          %dma_wait3A_163 = arith.constant 0 : i32
          %dma_wait3A_164 = tpu.memref_slice %arg7[%scan3A_138, %dma_wait3A_163] : memref<25x80xi32, #tpu.memory_space<vmem>> -> memref<1x80xi32, #tpu.memory_space<vmem>>
          %dma_wait3A_165 = tpu.memref_squeeze %dma_wait3A_164 : memref<1x80xi32, #tpu.memory_space<vmem>> -> memref<80xi32, #tpu.memory_space<vmem>>
          %dma_wait3A_166 = arith.constant 0 : i32
          %dma_wait3A_167 = arith.constant 0 : i32
          %dma_wait3A_168 = tpu.memref_slice %arg2[%dma_wait3A_166, %dma_wait3A_167] : memref<10000x128xf32, #tpu.memory_space<hbm>> -> memref<10000x128xf32, #tpu.memory_space<hbm>>
          %dma_wait3A_169 = tpu.memref_slice %arg10[%dma_wait3A_158] : memref<4x!tpu.dma_semaphore, #tpu.memory_space<semaphore_mem>> -> memref<1x!tpu.dma_semaphore, #tpu.memory_space<semaphore_mem>>
          %dma_wait3A_170 = tpu.memref_squeeze %dma_wait3A_169 : memref<1x!tpu.dma_semaphore, #tpu.memory_space<semaphore_mem>> -> memref<!tpu.dma_semaphore, #tpu.memory_space<semaphore_mem>>
          tpu.wait_indirect_dma semaphore(%dma_wait3A_170 : memref<!tpu.dma_semaphore, #tpu.memory_space<semaphore_mem>>) src(%dma_wait3A_168 : memref<10000x128xf32, #tpu.memory_space<hbm>>) dst(%dma_wait3A_162 : memref<80x128xf32, #tpu.memory_space<vmem>>)
          %dma_start3A_171 = arith.constant 1 : i32
          %dma_start3A_172 = arith.constant 1 : i32
          %dma_start3A_173 = arith.constant 0 : i32
          %dma_start3A_174 = arith.constant 0 : i32
          %dma_start3A_175 = tpu.memref_slice %arg9[%dma_start3A_171, %dma_start3A_173, %dma_start3A_174] : memref<4x80x128xf32, #tpu.memory_space<vmem>> -> memref<1x80x128xf32, #tpu.memory_space<vmem>>
          %dma_start3A_176 = tpu.memref_squeeze %dma_start3A_175 : memref<1x80x128xf32, #tpu.memory_space<vmem>> -> memref<80x128xf32, #tpu.memory_space<vmem>>
          %dma_start3A_177 = arith.constant 0 : i32
          %dma_start3A_178 = tpu.memref_slice %arg8[%scan3A_138, %dma_start3A_177] : memref<25x80xi32, #tpu.memory_space<vmem>> -> memref<1x80xi32, #tpu.memory_space<vmem>>
          %dma_start3A_179 = tpu.memref_squeeze %dma_start3A_178 : memref<1x80xi32, #tpu.memory_space<vmem>> -> memref<80xi32, #tpu.memory_space<vmem>>
          %dma_start3A_180 = arith.constant 0 : i32
          %dma_start3A_181 = arith.constant 0 : i32
          %dma_start3A_182 = tpu.memref_slice %arg12[%dma_start3A_180, %dma_start3A_181] : memref<10240x128xf32, #tpu.memory_space<vmem_shared>> -> memref<10240x128xf32, #tpu.memory_space<vmem_shared>>
          %dma_start3A_183 = tpu.memref_slice %arg11[%dma_start3A_172] : memref<4x!tpu.dma_semaphore, #tpu.memory_space<semaphore_mem>> -> memref<1x!tpu.dma_semaphore, #tpu.memory_space<semaphore_mem>>
          %dma_start3A_184 = tpu.memref_squeeze %dma_start3A_183 : memref<1x!tpu.dma_semaphore, #tpu.memory_space<semaphore_mem>> -> memref<!tpu.dma_semaphore, #tpu.memory_space<semaphore_mem>>
          tpu.enqueue_indirect_dma source(%dma_start3A_176 : memref<80x128xf32, #tpu.memory_space<vmem>>) target(%dma_start3A_182 : memref<10240x128xf32, #tpu.memory_space<vmem_shared>>) offsets(%dma_start3A_179 : memref<80xi32, #tpu.memory_space<vmem>>) semaphore(%dma_start3A_184 : memref<!tpu.dma_semaphore, #tpu.memory_space<semaphore_mem>>) {add = true}
          %add3A_185 = arith.constant 4 : i32
          %add3A_186 = arith.addi %scan3A_138, %add3A_185 : i32
          %lt3A = arith.constant 25 : i32
          %lt3A_187 = arith.cmpi slt, %add3A_186, %lt3A : i32
          %convert_element_type3A_188 = arith.extui %lt3A_187 : i1 to i32
          %cond3A_189 = arith.constant 0 : i32
          %cond3A_190 = arith.cmpi ne, %convert_element_type3A_188, %cond3A_189 : i32
          scf.if %cond3A_190 {
            %dma_wait3A_191 = arith.constant 1 : i32
            %dma_wait3A_192 = arith.constant 1 : i32
            %dma_wait3A_193 = arith.constant 0 : i32
            %dma_wait3A_194 = arith.constant 0 : i32
            %dma_wait3A_195 = tpu.memref_slice %arg9[%dma_wait3A_191, %dma_wait3A_193, %dma_wait3A_194] : memref<4x80x128xf32, #tpu.memory_space<vmem>> -> memref<1x80x128xf32, #tpu.memory_space<vmem>>
            %dma_wait3A_196 = tpu.memref_squeeze %dma_wait3A_195 : memref<1x80x128xf32, #tpu.memory_space<vmem>> -> memref<80x128xf32, #tpu.memory_space<vmem>>
            %dma_wait3A_197 = arith.constant 0 : i32
            %dma_wait3A_198 = tpu.memref_slice %arg8[%scan3A_138, %dma_wait3A_197] : memref<25x80xi32, #tpu.memory_space<vmem>> -> memref<1x80xi32, #tpu.memory_space<vmem>>
            %dma_wait3A_199 = tpu.memref_squeeze %dma_wait3A_198 : memref<1x80xi32, #tpu.memory_space<vmem>> -> memref<80xi32, #tpu.memory_space<vmem>>
            %dma_wait3A_200 = arith.constant 0 : i32
            %dma_wait3A_201 = arith.constant 0 : i32
            %dma_wait3A_202 = tpu.memref_slice %arg12[%dma_wait3A_200, %dma_wait3A_201] : memref<10240x128xf32, #tpu.memory_space<vmem_shared>> -> memref<10240x128xf32, #tpu.memory_space<vmem_shared>>
            %dma_wait3A_203 = tpu.memref_slice %arg11[%dma_wait3A_192] : memref<4x!tpu.dma_semaphore, #tpu.memory_space<semaphore_mem>> -> memref<1x!tpu.dma_semaphore, #tpu.memory_space<semaphore_mem>>
            %dma_wait3A_204 = tpu.memref_squeeze %dma_wait3A_203 : memref<1x!tpu.dma_semaphore, #tpu.memory_space<semaphore_mem>> -> memref<!tpu.dma_semaphore, #tpu.memory_space<semaphore_mem>>
            tpu.wait_indirect_dma semaphore(%dma_wait3A_204 : memref<!tpu.dma_semaphore, #tpu.memory_space<semaphore_mem>>) src(%dma_wait3A_196 : memref<80x128xf32, #tpu.memory_space<vmem>>) dst(%dma_wait3A_202 : memref<10240x128xf32, #tpu.memory_space<vmem_shared>>)
            %add3A_205 = arith.constant 4 : i32
            %add3A_206 = arith.addi %scan3A_138, %add3A_205 : i32
            %dma_start3A_207 = arith.constant 1 : i32
            %dma_start3A_208 = arith.constant 1 : i32
            %dma_start3A_209 = arith.constant 0 : i32
            %dma_start3A_210 = arith.constant 0 : i32
            %dma_start3A_211 = tpu.memref_slice %arg9[%dma_start3A_207, %dma_start3A_209, %dma_start3A_210] : memref<4x80x128xf32, #tpu.memory_space<vmem>> -> memref<1x80x128xf32, #tpu.memory_space<vmem>>
            %dma_start3A_212 = tpu.memref_squeeze %dma_start3A_211 : memref<1x80x128xf32, #tpu.memory_space<vmem>> -> memref<80x128xf32, #tpu.memory_space<vmem>>
            %dma_start3A_213 = arith.constant 0 : i32
            %dma_start3A_214 = tpu.memref_slice %arg7[%add3A_206, %dma_start3A_213] : memref<25x80xi32, #tpu.memory_space<vmem>> -> memref<1x80xi32, #tpu.memory_space<vmem>>
            %dma_start3A_215 = tpu.memref_squeeze %dma_start3A_214 : memref<1x80xi32, #tpu.memory_space<vmem>> -> memref<80xi32, #tpu.memory_space<vmem>>
            %dma_start3A_216 = arith.constant 0 : i32
            %dma_start3A_217 = arith.constant 0 : i32
            %dma_start3A_218 = tpu.memref_slice %arg2[%dma_start3A_216, %dma_start3A_217] : memref<10000x128xf32, #tpu.memory_space<hbm>> -> memref<10000x128xf32, #tpu.memory_space<hbm>>
            %dma_start3A_219 = tpu.memref_slice %arg10[%dma_start3A_208] : memref<4x!tpu.dma_semaphore, #tpu.memory_space<semaphore_mem>> -> memref<1x!tpu.dma_semaphore, #tpu.memory_space<semaphore_mem>>
            %dma_start3A_220 = tpu.memref_squeeze %dma_start3A_219 : memref<1x!tpu.dma_semaphore, #tpu.memory_space<semaphore_mem>> -> memref<!tpu.dma_semaphore, #tpu.memory_space<semaphore_mem>>
            tpu.enqueue_indirect_dma source(%dma_start3A_218 : memref<10000x128xf32, #tpu.memory_space<hbm>>) target(%dma_start3A_212 : memref<80x128xf32, #tpu.memory_space<vmem>>) offsets(%dma_start3A_215 : memref<80xi32, #tpu.memory_space<vmem>>) semaphore(%dma_start3A_220 : memref<!tpu.dma_semaphore, #tpu.memory_space<semaphore_mem>>)
          } else {
          }
        } else {
        }
        %eq3A_147 = arith.constant 2 : i32
        %eq3A_148 = arith.cmpi eq, %rem3A_139, %eq3A_147 : i32
        %convert_element_type3A_149 = arith.extui %eq3A_148 : i1 to i32
        %cond3A_150 = arith.constant 0 : i32
        %cond3A_151 = arith.cmpi ne, %convert_element_type3A_149, %cond3A_150 : i32
        scf.if %cond3A_151 {
          %dma_wait3A_157 = arith.constant 2 : i32
          %dma_wait3A_158 = arith.constant 2 : i32
          %dma_wait3A_159 = arith.constant 0 : i32
          %dma_wait3A_160 = arith.constant 0 : i32
          %dma_wait3A_161 = tpu.memref_slice %arg9[%dma_wait3A_157, %dma_wait3A_159, %dma_wait3A_160] : memref<4x80x128xf32, #tpu.memory_space<vmem>> -> memref<1x80x128xf32, #tpu.memory_space<vmem>>
          %dma_wait3A_162 = tpu.memref_squeeze %dma_wait3A_161 : memref<1x80x128xf32, #tpu.memory_space<vmem>> -> memref<80x128xf32, #tpu.memory_space<vmem>>
          %dma_wait3A_163 = arith.constant 0 : i32
          %dma_wait3A_164 = tpu.memref_slice %arg7[%scan3A_138, %dma_wait3A_163] : memref<25x80xi32, #tpu.memory_space<vmem>> -> memref<1x80xi32, #tpu.memory_space<vmem>>
          %dma_wait3A_165 = tpu.memref_squeeze %dma_wait3A_164 : memref<1x80xi32, #tpu.memory_space<vmem>> -> memref<80xi32, #tpu.memory_space<vmem>>
          %dma_wait3A_166 = arith.constant 0 : i32
          %dma_wait3A_167 = arith.constant 0 : i32
          %dma_wait3A_168 = tpu.memref_slice %arg2[%dma_wait3A_166, %dma_wait3A_167] : memref<10000x128xf32, #tpu.memory_space<hbm>> -> memref<10000x128xf32, #tpu.memory_space<hbm>>
          %dma_wait3A_169 = tpu.memref_slice %arg10[%dma_wait3A_158] : memref<4x!tpu.dma_semaphore, #tpu.memory_space<semaphore_mem>> -> memref<1x!tpu.dma_semaphore, #tpu.memory_space<semaphore_mem>>
          %dma_wait3A_170 = tpu.memref_squeeze %dma_wait3A_169 : memref<1x!tpu.dma_semaphore, #tpu.memory_space<semaphore_mem>> -> memref<!tpu.dma_semaphore, #tpu.memory_space<semaphore_mem>>
          tpu.wait_indirect_dma semaphore(%dma_wait3A_170 : memref<!tpu.dma_semaphore, #tpu.memory_space<semaphore_mem>>) src(%dma_wait3A_168 : memref<10000x128xf32, #tpu.memory_space<hbm>>) dst(%dma_wait3A_162 : memref<80x128xf32, #tpu.memory_space<vmem>>)
          %dma_start3A_171 = arith.constant 2 : i32
          %dma_start3A_172 = arith.constant 2 : i32
          %dma_start3A_173 = arith.constant 0 : i32
          %dma_start3A_174 = arith.constant 0 : i32
          %dma_start3A_175 = tpu.memref_slice %arg9[%dma_start3A_171, %dma_start3A_173, %dma_start3A_174] : memref<4x80x128xf32, #tpu.memory_space<vmem>> -> memref<1x80x128xf32, #tpu.memory_space<vmem>>
          %dma_start3A_176 = tpu.memref_squeeze %dma_start3A_175 : memref<1x80x128xf32, #tpu.memory_space<vmem>> -> memref<80x128xf32, #tpu.memory_space<vmem>>
          %dma_start3A_177 = arith.constant 0 : i32
          %dma_start3A_178 = tpu.memref_slice %arg8[%scan3A_138, %dma_start3A_177] : memref<25x80xi32, #tpu.memory_space<vmem>> -> memref<1x80xi32, #tpu.memory_space<vmem>>
          %dma_start3A_179 = tpu.memref_squeeze %dma_start3A_178 : memref<1x80xi32, #tpu.memory_space<vmem>> -> memref<80xi32, #tpu.memory_space<vmem>>
          %dma_start3A_180 = arith.constant 0 : i32
          %dma_start3A_181 = arith.constant 0 : i32
          %dma_start3A_182 = tpu.memref_slice %arg12[%dma_start3A_180, %dma_start3A_181] : memref<10240x128xf32, #tpu.memory_space<vmem_shared>> -> memref<10240x128xf32, #tpu.memory_space<vmem_shared>>
          %dma_start3A_183 = tpu.memref_slice %arg11[%dma_start3A_172] : memref<4x!tpu.dma_semaphore, #tpu.memory_space<semaphore_mem>> -> memref<1x!tpu.dma_semaphore, #tpu.memory_space<semaphore_mem>>
          %dma_start3A_184 = tpu.memref_squeeze %dma_start3A_183 : memref<1x!tpu.dma_semaphore, #tpu.memory_space<semaphore_mem>> -> memref<!tpu.dma_semaphore, #tpu.memory_space<semaphore_mem>>
          tpu.enqueue_indirect_dma source(%dma_start3A_176 : memref<80x128xf32, #tpu.memory_space<vmem>>) target(%dma_start3A_182 : memref<10240x128xf32, #tpu.memory_space<vmem_shared>>) offsets(%dma_start3A_179 : memref<80xi32, #tpu.memory_space<vmem>>) semaphore(%dma_start3A_184 : memref<!tpu.dma_semaphore, #tpu.memory_space<semaphore_mem>>) {add = true}
          %add3A_185 = arith.constant 4 : i32
          %add3A_186 = arith.addi %scan3A_138, %add3A_185 : i32
          %lt3A = arith.constant 25 : i32
          %lt3A_187 = arith.cmpi slt, %add3A_186, %lt3A : i32
          %convert_element_type3A_188 = arith.extui %lt3A_187 : i1 to i32
          %cond3A_189 = arith.constant 0 : i32
          %cond3A_190 = arith.cmpi ne, %convert_element_type3A_188, %cond3A_189 : i32
          scf.if %cond3A_190 {
            %dma_wait3A_191 = arith.constant 2 : i32
            %dma_wait3A_192 = arith.constant 2 : i32
            %dma_wait3A_193 = arith.constant 0 : i32
            %dma_wait3A_194 = arith.constant 0 : i32
            %dma_wait3A_195 = tpu.memref_slice %arg9[%dma_wait3A_191, %dma_wait3A_193, %dma_wait3A_194] : memref<4x80x128xf32, #tpu.memory_space<vmem>> -> memref<1x80x128xf32, #tpu.memory_space<vmem>>
            %dma_wait3A_196 = tpu.memref_squeeze %dma_wait3A_195 : memref<1x80x128xf32, #tpu.memory_space<vmem>> -> memref<80x128xf32, #tpu.memory_space<vmem>>
            %dma_wait3A_197 = arith.constant 0 : i32
            %dma_wait3A_198 = tpu.memref_slice %arg8[%scan3A_138, %dma_wait3A_197] : memref<25x80xi32, #tpu.memory_space<vmem>> -> memref<1x80xi32, #tpu.memory_space<vmem>>
            %dma_wait3A_199 = tpu.memref_squeeze %dma_wait3A_198 : memref<1x80xi32, #tpu.memory_space<vmem>> -> memref<80xi32, #tpu.memory_space<vmem>>
            %dma_wait3A_200 = arith.constant 0 : i32
            %dma_wait3A_201 = arith.constant 0 : i32
            %dma_wait3A_202 = tpu.memref_slice %arg12[%dma_wait3A_200, %dma_wait3A_201] : memref<10240x128xf32, #tpu.memory_space<vmem_shared>> -> memref<10240x128xf32, #tpu.memory_space<vmem_shared>>
            %dma_wait3A_203 = tpu.memref_slice %arg11[%dma_wait3A_192] : memref<4x!tpu.dma_semaphore, #tpu.memory_space<semaphore_mem>> -> memref<1x!tpu.dma_semaphore, #tpu.memory_space<semaphore_mem>>
            %dma_wait3A_204 = tpu.memref_squeeze %dma_wait3A_203 : memref<1x!tpu.dma_semaphore, #tpu.memory_space<semaphore_mem>> -> memref<!tpu.dma_semaphore, #tpu.memory_space<semaphore_mem>>
            tpu.wait_indirect_dma semaphore(%dma_wait3A_204 : memref<!tpu.dma_semaphore, #tpu.memory_space<semaphore_mem>>) src(%dma_wait3A_196 : memref<80x128xf32, #tpu.memory_space<vmem>>) dst(%dma_wait3A_202 : memref<10240x128xf32, #tpu.memory_space<vmem_shared>>)
            %add3A_205 = arith.constant 4 : i32
            %add3A_206 = arith.addi %scan3A_138, %add3A_205 : i32
            %dma_start3A_207 = arith.constant 2 : i32
            %dma_start3A_208 = arith.constant 2 : i32
            %dma_start3A_209 = arith.constant 0 : i32
            %dma_start3A_210 = arith.constant 0 : i32
            %dma_start3A_211 = tpu.memref_slice %arg9[%dma_start3A_207, %dma_start3A_209, %dma_start3A_210] : memref<4x80x128xf32, #tpu.memory_space<vmem>> -> memref<1x80x128xf32, #tpu.memory_space<vmem>>
            %dma_start3A_212 = tpu.memref_squeeze %dma_start3A_211 : memref<1x80x128xf32, #tpu.memory_space<vmem>> -> memref<80x128xf32, #tpu.memory_space<vmem>>
            %dma_start3A_213 = arith.constant 0 : i32
            %dma_start3A_214 = tpu.memref_slice %arg7[%add3A_206, %dma_start3A_213] : memref<25x80xi32, #tpu.memory_space<vmem>> -> memref<1x80xi32, #tpu.memory_space<vmem>>
            %dma_start3A_215 = tpu.memref_squeeze %dma_start3A_214 : memref<1x80xi32, #tpu.memory_space<vmem>> -> memref<80xi32, #tpu.memory_space<vmem>>
            %dma_start3A_216 = arith.constant 0 : i32
            %dma_start3A_217 = arith.constant 0 : i32
            %dma_start3A_218 = tpu.memref_slice %arg2[%dma_start3A_216, %dma_start3A_217] : memref<10000x128xf32, #tpu.memory_space<hbm>> -> memref<10000x128xf32, #tpu.memory_space<hbm>>
            %dma_start3A_219 = tpu.memref_slice %arg10[%dma_start3A_208] : memref<4x!tpu.dma_semaphore, #tpu.memory_space<semaphore_mem>> -> memref<1x!tpu.dma_semaphore, #tpu.memory_space<semaphore_mem>>
            %dma_start3A_220 = tpu.memref_squeeze %dma_start3A_219 : memref<1x!tpu.dma_semaphore, #tpu.memory_space<semaphore_mem>> -> memref<!tpu.dma_semaphore, #tpu.memory_space<semaphore_mem>>
            tpu.enqueue_indirect_dma source(%dma_start3A_218 : memref<10000x128xf32, #tpu.memory_space<hbm>>) target(%dma_start3A_212 : memref<80x128xf32, #tpu.memory_space<vmem>>) offsets(%dma_start3A_215 : memref<80xi32, #tpu.memory_space<vmem>>) semaphore(%dma_start3A_220 : memref<!tpu.dma_semaphore, #tpu.memory_space<semaphore_mem>>)
          } else {
          }
        } else {
        }
        %eq3A_152 = arith.constant 3 : i32
        %eq3A_153 = arith.cmpi eq, %rem3A_139, %eq3A_152 : i32
        %convert_element_type3A_154 = arith.extui %eq3A_153 : i1 to i32
        %cond3A_155 = arith.constant 0 : i32
        %cond3A_156 = arith.cmpi ne, %convert_element_type3A_154, %cond3A_155 : i32
        scf.if %cond3A_156 {
          %dma_wait3A_157 = arith.constant 3 : i32
          %dma_wait3A_158 = arith.constant 3 : i32
          %dma_wait3A_159 = arith.constant 0 : i32
          %dma_wait3A_160 = arith.constant 0 : i32
          %dma_wait3A_161 = tpu.memref_slice %arg9[%dma_wait3A_157, %dma_wait3A_159, %dma_wait3A_160] : memref<4x80x128xf32, #tpu.memory_space<vmem>> -> memref<1x80x128xf32, #tpu.memory_space<vmem>>
          %dma_wait3A_162 = tpu.memref_squeeze %dma_wait3A_161 : memref<1x80x128xf32, #tpu.memory_space<vmem>> -> memref<80x128xf32, #tpu.memory_space<vmem>>
          %dma_wait3A_163 = arith.constant 0 : i32
          %dma_wait3A_164 = tpu.memref_slice %arg7[%scan3A_138, %dma_wait3A_163] : memref<25x80xi32, #tpu.memory_space<vmem>> -> memref<1x80xi32, #tpu.memory_space<vmem>>
          %dma_wait3A_165 = tpu.memref_squeeze %dma_wait3A_164 : memref<1x80xi32, #tpu.memory_space<vmem>> -> memref<80xi32, #tpu.memory_space<vmem>>
          %dma_wait3A_166 = arith.constant 0 : i32
          %dma_wait3A_167 = arith.constant 0 : i32
          %dma_wait3A_168 = tpu.memref_slice %arg2[%dma_wait3A_166, %dma_wait3A_167] : memref<10000x128xf32, #tpu.memory_space<hbm>> -> memref<10000x128xf32, #tpu.memory_space<hbm>>
          %dma_wait3A_169 = tpu.memref_slice %arg10[%dma_wait3A_158] : memref<4x!tpu.dma_semaphore, #tpu.memory_space<semaphore_mem>> -> memref<1x!tpu.dma_semaphore, #tpu.memory_space<semaphore_mem>>
          %dma_wait3A_170 = tpu.memref_squeeze %dma_wait3A_169 : memref<1x!tpu.dma_semaphore, #tpu.memory_space<semaphore_mem>> -> memref<!tpu.dma_semaphore, #tpu.memory_space<semaphore_mem>>
          tpu.wait_indirect_dma semaphore(%dma_wait3A_170 : memref<!tpu.dma_semaphore, #tpu.memory_space<semaphore_mem>>) src(%dma_wait3A_168 : memref<10000x128xf32, #tpu.memory_space<hbm>>) dst(%dma_wait3A_162 : memref<80x128xf32, #tpu.memory_space<vmem>>)
          %dma_start3A_171 = arith.constant 3 : i32
          %dma_start3A_172 = arith.constant 3 : i32
          %dma_start3A_173 = arith.constant 0 : i32
          %dma_start3A_174 = arith.constant 0 : i32
          %dma_start3A_175 = tpu.memref_slice %arg9[%dma_start3A_171, %dma_start3A_173, %dma_start3A_174] : memref<4x80x128xf32, #tpu.memory_space<vmem>> -> memref<1x80x128xf32, #tpu.memory_space<vmem>>
          %dma_start3A_176 = tpu.memref_squeeze %dma_start3A_175 : memref<1x80x128xf32, #tpu.memory_space<vmem>> -> memref<80x128xf32, #tpu.memory_space<vmem>>
          %dma_start3A_177 = arith.constant 0 : i32
          %dma_start3A_178 = tpu.memref_slice %arg8[%scan3A_138, %dma_start3A_177] : memref<25x80xi32, #tpu.memory_space<vmem>> -> memref<1x80xi32, #tpu.memory_space<vmem>>
          %dma_start3A_179 = tpu.memref_squeeze %dma_start3A_178 : memref<1x80xi32, #tpu.memory_space<vmem>> -> memref<80xi32, #tpu.memory_space<vmem>>
          %dma_start3A_180 = arith.constant 0 : i32
          %dma_start3A_181 = arith.constant 0 : i32
          %dma_start3A_182 = tpu.memref_slice %arg12[%dma_start3A_180, %dma_start3A_181] : memref<10240x128xf32, #tpu.memory_space<vmem_shared>> -> memref<10240x128xf32, #tpu.memory_space<vmem_shared>>
          %dma_start3A_183 = tpu.memref_slice %arg11[%dma_start3A_172] : memref<4x!tpu.dma_semaphore, #tpu.memory_space<semaphore_mem>> -> memref<1x!tpu.dma_semaphore, #tpu.memory_space<semaphore_mem>>
          %dma_start3A_184 = tpu.memref_squeeze %dma_start3A_183 : memref<1x!tpu.dma_semaphore, #tpu.memory_space<semaphore_mem>> -> memref<!tpu.dma_semaphore, #tpu.memory_space<semaphore_mem>>
          tpu.enqueue_indirect_dma source(%dma_start3A_176 : memref<80x128xf32, #tpu.memory_space<vmem>>) target(%dma_start3A_182 : memref<10240x128xf32, #tpu.memory_space<vmem_shared>>) offsets(%dma_start3A_179 : memref<80xi32, #tpu.memory_space<vmem>>) semaphore(%dma_start3A_184 : memref<!tpu.dma_semaphore, #tpu.memory_space<semaphore_mem>>) {add = true}
          %add3A_185 = arith.constant 4 : i32
          %add3A_186 = arith.addi %scan3A_138, %add3A_185 : i32
          %lt3A = arith.constant 25 : i32
          %lt3A_187 = arith.cmpi slt, %add3A_186, %lt3A : i32
          %convert_element_type3A_188 = arith.extui %lt3A_187 : i1 to i32
          %cond3A_189 = arith.constant 0 : i32
          %cond3A_190 = arith.cmpi ne, %convert_element_type3A_188, %cond3A_189 : i32
          scf.if %cond3A_190 {
            %dma_wait3A_191 = arith.constant 3 : i32
            %dma_wait3A_192 = arith.constant 3 : i32
            %dma_wait3A_193 = arith.constant 0 : i32
            %dma_wait3A_194 = arith.constant 0 : i32
            %dma_wait3A_195 = tpu.memref_slice %arg9[%dma_wait3A_191, %dma_wait3A_193, %dma_wait3A_194] : memref<4x80x128xf32, #tpu.memory_space<vmem>> -> memref<1x80x128xf32, #tpu.memory_space<vmem>>
            %dma_wait3A_196 = tpu.memref_squeeze %dma_wait3A_195 : memref<1x80x128xf32, #tpu.memory_space<vmem>> -> memref<80x128xf32, #tpu.memory_space<vmem>>
            %dma_wait3A_197 = arith.constant 0 : i32
            %dma_wait3A_198 = tpu.memref_slice %arg8[%scan3A_138, %dma_wait3A_197] : memref<25x80xi32, #tpu.memory_space<vmem>> -> memref<1x80xi32, #tpu.memory_space<vmem>>
            %dma_wait3A_199 = tpu.memref_squeeze %dma_wait3A_198 : memref<1x80xi32, #tpu.memory_space<vmem>> -> memref<80xi32, #tpu.memory_space<vmem>>
            %dma_wait3A_200 = arith.constant 0 : i32
            %dma_wait3A_201 = arith.constant 0 : i32
            %dma_wait3A_202 = tpu.memref_slice %arg12[%dma_wait3A_200, %dma_wait3A_201] : memref<10240x128xf32, #tpu.memory_space<vmem_shared>> -> memref<10240x128xf32, #tpu.memory_space<vmem_shared>>
            %dma_wait3A_203 = tpu.memref_slice %arg11[%dma_wait3A_192] : memref<4x!tpu.dma_semaphore, #tpu.memory_space<semaphore_mem>> -> memref<1x!tpu.dma_semaphore, #tpu.memory_space<semaphore_mem>>
            %dma_wait3A_204 = tpu.memref_squeeze %dma_wait3A_203 : memref<1x!tpu.dma_semaphore, #tpu.memory_space<semaphore_mem>> -> memref<!tpu.dma_semaphore, #tpu.memory_space<semaphore_mem>>
            tpu.wait_indirect_dma semaphore(%dma_wait3A_204 : memref<!tpu.dma_semaphore, #tpu.memory_space<semaphore_mem>>) src(%dma_wait3A_196 : memref<80x128xf32, #tpu.memory_space<vmem>>) dst(%dma_wait3A_202 : memref<10240x128xf32, #tpu.memory_space<vmem_shared>>)
            %add3A_205 = arith.constant 4 : i32
            %add3A_206 = arith.addi %scan3A_138, %add3A_205 : i32
            %dma_start3A_207 = arith.constant 3 : i32
            %dma_start3A_208 = arith.constant 3 : i32
            %dma_start3A_209 = arith.constant 0 : i32
            %dma_start3A_210 = arith.constant 0 : i32
            %dma_start3A_211 = tpu.memref_slice %arg9[%dma_start3A_207, %dma_start3A_209, %dma_start3A_210] : memref<4x80x128xf32, #tpu.memory_space<vmem>> -> memref<1x80x128xf32, #tpu.memory_space<vmem>>
            %dma_start3A_212 = tpu.memref_squeeze %dma_start3A_211 : memref<1x80x128xf32, #tpu.memory_space<vmem>> -> memref<80x128xf32, #tpu.memory_space<vmem>>
            %dma_start3A_213 = arith.constant 0 : i32
            %dma_start3A_214 = tpu.memref_slice %arg7[%add3A_206, %dma_start3A_213] : memref<25x80xi32, #tpu.memory_space<vmem>> -> memref<1x80xi32, #tpu.memory_space<vmem>>
            %dma_start3A_215 = tpu.memref_squeeze %dma_start3A_214 : memref<1x80xi32, #tpu.memory_space<vmem>> -> memref<80xi32, #tpu.memory_space<vmem>>
            %dma_start3A_216 = arith.constant 0 : i32
            %dma_start3A_217 = arith.constant 0 : i32
            %dma_start3A_218 = tpu.memref_slice %arg2[%dma_start3A_216, %dma_start3A_217] : memref<10000x128xf32, #tpu.memory_space<hbm>> -> memref<10000x128xf32, #tpu.memory_space<hbm>>
            %dma_start3A_219 = tpu.memref_slice %arg10[%dma_start3A_208] : memref<4x!tpu.dma_semaphore, #tpu.memory_space<semaphore_mem>> -> memref<1x!tpu.dma_semaphore, #tpu.memory_space<semaphore_mem>>
            %dma_start3A_220 = tpu.memref_squeeze %dma_start3A_219 : memref<1x!tpu.dma_semaphore, #tpu.memory_space<semaphore_mem>> -> memref<!tpu.dma_semaphore, #tpu.memory_space<semaphore_mem>>
            tpu.enqueue_indirect_dma source(%dma_start3A_218 : memref<10000x128xf32, #tpu.memory_space<hbm>>) target(%dma_start3A_212 : memref<80x128xf32, #tpu.memory_space<vmem>>) offsets(%dma_start3A_215 : memref<80xi32, #tpu.memory_space<vmem>>) semaphore(%dma_start3A_220 : memref<!tpu.dma_semaphore, #tpu.memory_space<semaphore_mem>>)
          } else {
          }
        } else {
        }
      }
      %scan3A_78 = arith.constant 25 : i32
      %dma_wait3A = arith.constant 1 : i32
      %dma_wait3A_79 = arith.constant 21 : i32
      %dma_wait3A_80 = arith.constant 1 : i32
      %dma_wait3A_81 = arith.constant 0 : i32
      %dma_wait3A_82 = arith.constant 0 : i32
      %dma_wait3A_83 = tpu.memref_slice %arg9[%dma_wait3A, %dma_wait3A_81, %dma_wait3A_82] : memref<4x80x128xf32, #tpu.memory_space<vmem>> -> memref<1x80x128xf32, #tpu.memory_space<vmem>>
      %dma_wait3A_84 = tpu.memref_squeeze %dma_wait3A_83 : memref<1x80x128xf32, #tpu.memory_space<vmem>> -> memref<80x128xf32, #tpu.memory_space<vmem>>
      %dma_wait3A_85 = arith.constant 0 : i32
      %dma_wait3A_86 = tpu.memref_slice %arg8[%dma_wait3A_79, %dma_wait3A_85] : memref<25x80xi32, #tpu.memory_space<vmem>> -> memref<1x80xi32, #tpu.memory_space<vmem>>
      %dma_wait3A_87 = tpu.memref_squeeze %dma_wait3A_86 : memref<1x80xi32, #tpu.memory_space<vmem>> -> memref<80xi32, #tpu.memory_space<vmem>>
      %dma_wait3A_88 = arith.constant 0 : i32
      %dma_wait3A_89 = arith.constant 0 : i32
      %dma_wait3A_90 = tpu.memref_slice %arg12[%dma_wait3A_88, %dma_wait3A_89] : memref<10240x128xf32, #tpu.memory_space<vmem_shared>> -> memref<10240x128xf32, #tpu.memory_space<vmem_shared>>
      %dma_wait3A_91 = tpu.memref_slice %arg11[%dma_wait3A_80] : memref<4x!tpu.dma_semaphore, #tpu.memory_space<semaphore_mem>> -> memref<1x!tpu.dma_semaphore, #tpu.memory_space<semaphore_mem>>
      %dma_wait3A_92 = tpu.memref_squeeze %dma_wait3A_91 : memref<1x!tpu.dma_semaphore, #tpu.memory_space<semaphore_mem>> -> memref<!tpu.dma_semaphore, #tpu.memory_space<semaphore_mem>>
      tpu.wait_indirect_dma semaphore(%dma_wait3A_92 : memref<!tpu.dma_semaphore, #tpu.memory_space<semaphore_mem>>) src(%dma_wait3A_84 : memref<80x128xf32, #tpu.memory_space<vmem>>) dst(%dma_wait3A_90 : memref<10240x128xf32, #tpu.memory_space<vmem_shared>>)
      %dma_wait3A_93 = arith.constant 2 : i32
      %dma_wait3A_94 = arith.constant 22 : i32
      %dma_wait3A_95 = arith.constant 2 : i32
      %dma_wait3A_96 = arith.constant 0 : i32
      %dma_wait3A_97 = arith.constant 0 : i32
      %dma_wait3A_98 = tpu.memref_slice %arg9[%dma_wait3A_93, %dma_wait3A_96, %dma_wait3A_97] : memref<4x80x128xf32, #tpu.memory_space<vmem>> -> memref<1x80x128xf32, #tpu.memory_space<vmem>>
      %dma_wait3A_99 = tpu.memref_squeeze %dma_wait3A_98 : memref<1x80x128xf32, #tpu.memory_space<vmem>> -> memref<80x128xf32, #tpu.memory_space<vmem>>
      %dma_wait3A_100 = arith.constant 0 : i32
      %dma_wait3A_101 = tpu.memref_slice %arg8[%dma_wait3A_94, %dma_wait3A_100] : memref<25x80xi32, #tpu.memory_space<vmem>> -> memref<1x80xi32, #tpu.memory_space<vmem>>
      %dma_wait3A_102 = tpu.memref_squeeze %dma_wait3A_101 : memref<1x80xi32, #tpu.memory_space<vmem>> -> memref<80xi32, #tpu.memory_space<vmem>>
      %dma_wait3A_103 = arith.constant 0 : i32
      %dma_wait3A_104 = arith.constant 0 : i32
      %dma_wait3A_105 = tpu.memref_slice %arg12[%dma_wait3A_103, %dma_wait3A_104] : memref<10240x128xf32, #tpu.memory_space<vmem_shared>> -> memref<10240x128xf32, #tpu.memory_space<vmem_shared>>
      %dma_wait3A_106 = tpu.memref_slice %arg11[%dma_wait3A_95] : memref<4x!tpu.dma_semaphore, #tpu.memory_space<semaphore_mem>> -> memref<1x!tpu.dma_semaphore, #tpu.memory_space<semaphore_mem>>
      %dma_wait3A_107 = tpu.memref_squeeze %dma_wait3A_106 : memref<1x!tpu.dma_semaphore, #tpu.memory_space<semaphore_mem>> -> memref<!tpu.dma_semaphore, #tpu.memory_space<semaphore_mem>>
      tpu.wait_indirect_dma semaphore(%dma_wait3A_107 : memref<!tpu.dma_semaphore, #tpu.memory_space<semaphore_mem>>) src(%dma_wait3A_99 : memref<80x128xf32, #tpu.memory_space<vmem>>) dst(%dma_wait3A_105 : memref<10240x128xf32, #tpu.memory_space<vmem_shared>>)
      %dma_wait3A_108 = arith.constant 3 : i32
      %dma_wait3A_109 = arith.constant 23 : i32
      %dma_wait3A_110 = arith.constant 3 : i32
      %dma_wait3A_111 = arith.constant 0 : i32
      %dma_wait3A_112 = arith.constant 0 : i32
      %dma_wait3A_113 = tpu.memref_slice %arg9[%dma_wait3A_108, %dma_wait3A_111, %dma_wait3A_112] : memref<4x80x128xf32, #tpu.memory_space<vmem>> -> memref<1x80x128xf32, #tpu.memory_space<vmem>>
      %dma_wait3A_114 = tpu.memref_squeeze %dma_wait3A_113 : memref<1x80x128xf32, #tpu.memory_space<vmem>> -> memref<80x128xf32, #tpu.memory_space<vmem>>
      %dma_wait3A_115 = arith.constant 0 : i32
      %dma_wait3A_116 = tpu.memref_slice %arg8[%dma_wait3A_109, %dma_wait3A_115] : memref<25x80xi32, #tpu.memory_space<vmem>> -> memref<1x80xi32, #tpu.memory_space<vmem>>
      %dma_wait3A_117 = tpu.memref_squeeze %dma_wait3A_116 : memref<1x80xi32, #tpu.memory_space<vmem>> -> memref<80xi32, #tpu.memory_space<vmem>>
      %dma_wait3A_118 = arith.constant 0 : i32
      %dma_wait3A_119 = arith.constant 0 : i32
      %dma_wait3A_120 = tpu.memref_slice %arg12[%dma_wait3A_118, %dma_wait3A_119] : memref<10240x128xf32, #tpu.memory_space<vmem_shared>> -> memref<10240x128xf32, #tpu.memory_space<vmem_shared>>
      %dma_wait3A_121 = tpu.memref_slice %arg11[%dma_wait3A_110] : memref<4x!tpu.dma_semaphore, #tpu.memory_space<semaphore_mem>> -> memref<1x!tpu.dma_semaphore, #tpu.memory_space<semaphore_mem>>
      %dma_wait3A_122 = tpu.memref_squeeze %dma_wait3A_121 : memref<1x!tpu.dma_semaphore, #tpu.memory_space<semaphore_mem>> -> memref<!tpu.dma_semaphore, #tpu.memory_space<semaphore_mem>>
      tpu.wait_indirect_dma semaphore(%dma_wait3A_122 : memref<!tpu.dma_semaphore, #tpu.memory_space<semaphore_mem>>) src(%dma_wait3A_114 : memref<80x128xf32, #tpu.memory_space<vmem>>) dst(%dma_wait3A_120 : memref<10240x128xf32, #tpu.memory_space<vmem_shared>>)
      %dma_wait3A_123 = arith.constant 0 : i32
      %dma_wait3A_124 = arith.constant 24 : i32
      %dma_wait3A_125 = arith.constant 0 : i32
      %dma_wait3A_126 = arith.constant 0 : i32
      %dma_wait3A_127 = arith.constant 0 : i32
      %dma_wait3A_128 = tpu.memref_slice %arg9[%dma_wait3A_123, %dma_wait3A_126, %dma_wait3A_127] : memref<4x80x128xf32, #tpu.memory_space<vmem>> -> memref<1x80x128xf32, #tpu.memory_space<vmem>>
      %dma_wait3A_129 = tpu.memref_squeeze %dma_wait3A_128 : memref<1x80x128xf32, #tpu.memory_space<vmem>> -> memref<80x128xf32, #tpu.memory_space<vmem>>
      %dma_wait3A_130 = arith.constant 0 : i32
      %dma_wait3A_131 = tpu.memref_slice %arg8[%dma_wait3A_124, %dma_wait3A_130] : memref<25x80xi32, #tpu.memory_space<vmem>> -> memref<1x80xi32, #tpu.memory_space<vmem>>
      %dma_wait3A_132 = tpu.memref_squeeze %dma_wait3A_131 : memref<1x80xi32, #tpu.memory_space<vmem>> -> memref<80xi32, #tpu.memory_space<vmem>>
      %dma_wait3A_133 = arith.constant 0 : i32
      %dma_wait3A_134 = arith.constant 0 : i32
      %dma_wait3A_135 = tpu.memref_slice %arg12[%dma_wait3A_133, %dma_wait3A_134] : memref<10240x128xf32, #tpu.memory_space<vmem_shared>> -> memref<10240x128xf32, #tpu.memory_space<vmem_shared>>
      %dma_wait3A_136 = tpu.memref_slice %arg11[%dma_wait3A_125] : memref<4x!tpu.dma_semaphore, #tpu.memory_space<semaphore_mem>> -> memref<1x!tpu.dma_semaphore, #tpu.memory_space<semaphore_mem>>
      %dma_wait3A_137 = tpu.memref_squeeze %dma_wait3A_136 : memref<1x!tpu.dma_semaphore, #tpu.memory_space<semaphore_mem>> -> memref<!tpu.dma_semaphore, #tpu.memory_space<semaphore_mem>>
      tpu.wait_indirect_dma semaphore(%dma_wait3A_137 : memref<!tpu.dma_semaphore, #tpu.memory_space<semaphore_mem>>) src(%dma_wait3A_129 : memref<80x128xf32, #tpu.memory_space<vmem>>) dst(%dma_wait3A_135 : memref<10240x128xf32, #tpu.memory_space<vmem_shared>>)
    }
    %scan3A_7 = arith.constant 5 : i32
    %barrier3A_8 = arith.constant 0 : index
    tpu.barrier barrier_id(%barrier3A_8)
    %mul3A_9 = arith.constant 640 : i32
    %mul3A_10 = arith.muli %arg1, %mul3A_9 : i32
    %mul3A_11 = arith.constant 640 : i32
    %mul3A_12 = arith.muli %arg1, %mul3A_11 : i32
    "tpu.region"() ({
      %run_scoped3A = tpu.sem_alloc : memref<!tpu.dma_semaphore, #tpu.memory_space<semaphore_mem>>
      %dma_start3A = arith.constant 0 : i32
      %dma_start3A_13 = tpu.memref_slice %arg6[%arg0, %mul3A_12, %dma_start3A] : memref<2x10240x128xf32, #tpu.memory_space<hbm>> -> memref<1x640x128xf32, #tpu.memory_space<hbm>>
      %dma_start3A_14 = tpu.memref_squeeze %dma_start3A_13 : memref<1x640x128xf32, #tpu.memory_space<hbm>> -> memref<640x128xf32, #tpu.memory_space<hbm>>
      %dma_start3A_15 = arith.constant 0 : i32
      %dma_start3A_16 = tpu.memref_slice %arg12[%mul3A_10, %dma_start3A_15] : memref<10240x128xf32, #tpu.memory_space<vmem_shared>> -> memref<640x128xf32, #tpu.memory_space<vmem_shared>>
      tpu.enqueue_dma source(%dma_start3A_16 : memref<640x128xf32, #tpu.memory_space<vmem_shared>>) target(%dma_start3A_14 : memref<640x128xf32, #tpu.memory_space<hbm>>) target_semaphore(%run_scoped3A : memref<!tpu.dma_semaphore, #tpu.memory_space<semaphore_mem>>)
      %dma_wait3A = arith.constant 0 : i32
      %dma_wait3A_17 = tpu.memref_slice %arg6[%arg0, %mul3A_12, %dma_wait3A] : memref<2x10240x128xf32, #tpu.memory_space<hbm>> -> memref<1x640x128xf32, #tpu.memory_space<hbm>>
      %dma_wait3A_18 = tpu.memref_squeeze %dma_wait3A_17 : memref<1x640x128xf32, #tpu.memory_space<hbm>> -> memref<640x128xf32, #tpu.memory_space<hbm>>
      %dma_wait3A_19 = arith.constant 0 : i32
      %dma_wait3A_20 = tpu.memref_slice %arg12[%mul3A_10, %dma_wait3A_19] : memref<10240x128xf32, #tpu.memory_space<vmem_shared>> -> memref<640x128xf32, #tpu.memory_space<vmem_shared>>
      tpu.wait_dma2 semaphore(%run_scoped3A : memref<!tpu.dma_semaphore, #tpu.memory_space<semaphore_mem>>) src(%dma_wait3A_20 : memref<640x128xf32, #tpu.memory_space<vmem_shared>>) dst(%dma_wait3A_18 : memref<640x128xf32, #tpu.memory_space<hbm>>)
      tpu.yield
    }) : () -> ()
    return
  }
}

#map = affine_map<(d0, d1) -> (0, 0, 0, 0)>
#map1 = affine_map<(d0, d1) -> (0, 0)>
#map2 = affine_map<(d0, d1) -> (0, 0, 0)>
module attributes {stable_mosaic.version = 14 : i64} {
  func.func @_sc_degree(%arg0: i32, %arg1: i32, %arg2: memref<32x5x25x80xi32, #tpu.memory_space<hbm>>, %arg3: memref<80x128xf32, #tpu.memory_space<hbm>>, %arg4: memref<640x128xf32, #tpu.memory_space<hbm>>, %arg5: memref<2x10240x128xf32, #tpu.memory_space<hbm>>, %arg6: memref<25x80xi32, #tpu.memory_space<vmem>>, %arg7: memref<80x128xf32, #tpu.memory_space<vmem>>, %arg8: memref<4x!tpu.dma_semaphore, #tpu.memory_space<semaphore_mem>>, %arg9: memref<10240x128xf32, #tpu.memory_space<vmem_shared>>) attributes {dimension_semantics = [#tpu.dimension_semantics<core_parallel>, #tpu.dimension_semantics<subcore_parallel>], iteration_bounds = array<i64: 2, 16>, scalar_prefetch = 0 : i64, scratch_operands = 4 : i64, tpu.core_type = #tpu.core_type<sc_vector_subcore>, window_params = [{transform_indices = #map}, {transform_indices = #map1}, {transform_indices = #map1}, {transform_indices = #map2}]} {
    %mul3A = arith.constant 2 : i32
    %mul3A_0 = arith.muli %arg1, %mul3A : i32
    %add3A = arith.addi %mul3A_0, %arg0 : i32
    "tpu.region"() ({
      %run_scoped3A = tpu.sem_alloc : memref<!tpu.dma_semaphore, #tpu.memory_space<semaphore_mem>>
      tpu.enqueue_dma source(%arg3 : memref<80x128xf32, #tpu.memory_space<hbm>>) target(%arg7 : memref<80x128xf32, #tpu.memory_space<vmem>>) target_semaphore(%run_scoped3A : memref<!tpu.dma_semaphore, #tpu.memory_space<semaphore_mem>>)
      tpu.wait_dma2 semaphore(%run_scoped3A : memref<!tpu.dma_semaphore, #tpu.memory_space<semaphore_mem>>) src(%arg3 : memref<80x128xf32, #tpu.memory_space<hbm>>) dst(%arg7 : memref<80x128xf32, #tpu.memory_space<vmem>>)
      tpu.yield
    }) : () -> ()
    %mul3A_1 = arith.constant 640 : i32
    %mul3A_2 = arith.muli %arg1, %mul3A_1 : i32
    "tpu.region"() ({
      %run_scoped3A = tpu.sem_alloc : memref<!tpu.dma_semaphore, #tpu.memory_space<semaphore_mem>>
      %dma_start3A = arith.constant 0 : i32
      %dma_start3A_13 = tpu.memref_slice %arg9[%mul3A_2, %dma_start3A] : memref<10240x128xf32, #tpu.memory_space<vmem_shared>> -> memref<640x128xf32, #tpu.memory_space<vmem_shared>>
      tpu.enqueue_dma source(%arg4 : memref<640x128xf32, #tpu.memory_space<hbm>>) target(%dma_start3A_13 : memref<640x128xf32, #tpu.memory_space<vmem_shared>>) target_semaphore(%run_scoped3A : memref<!tpu.dma_semaphore, #tpu.memory_space<semaphore_mem>>)
      %dma_wait3A = arith.constant 0 : i32
      %dma_wait3A_14 = tpu.memref_slice %arg9[%mul3A_2, %dma_wait3A] : memref<10240x128xf32, #tpu.memory_space<vmem_shared>> -> memref<640x128xf32, #tpu.memory_space<vmem_shared>>
      tpu.wait_dma2 semaphore(%run_scoped3A : memref<!tpu.dma_semaphore, #tpu.memory_space<semaphore_mem>>) src(%arg4 : memref<640x128xf32, #tpu.memory_space<hbm>>) dst(%dma_wait3A_14 : memref<640x128xf32, #tpu.memory_space<vmem_shared>>)
      tpu.yield
    }) : () -> ()
    %barrier3A = arith.constant 0 : index
    tpu.barrier barrier_id(%barrier3A)
    %scan3A = arith.constant 0 : i32
    %scan3A_3 = arith.constant 0 : i32
    %scan3A_4 = arith.constant 5 : i32
    %scan3A_5 = arith.addi %scan3A_3, %scan3A_4 : i32
    %scan3A_6 = arith.constant 1 : i32
    scf.for %scan3A_13 = %scan3A_3 to %scan3A_5 step %scan3A_6  : i32 {
      "tpu.region"() ({
        %run_scoped3A_20 = tpu.sem_alloc : memref<!tpu.dma_semaphore, #tpu.memory_space<semaphore_mem>>
        %dma_start3A = arith.constant 0 : i32
        %dma_start3A_21 = arith.constant 0 : i32
        %dma_start3A_22 = tpu.memref_slice %arg2[%add3A, %scan3A_13, %dma_start3A, %dma_start3A_21] : memref<32x5x25x80xi32, #tpu.memory_space<hbm>> -> memref<1x1x25x80xi32, #tpu.memory_space<hbm>>
        %dma_start3A_23 = tpu.memref_squeeze %dma_start3A_22 : memref<1x1x25x80xi32, #tpu.memory_space<hbm>> -> memref<25x80xi32, #tpu.memory_space<hbm>>
        %dma_start3A_24 = arith.constant 0 : i32
        %dma_start3A_25 = arith.constant 0 : i32
        %dma_start3A_26 = tpu.memref_slice %arg2[%add3A, %scan3A_13, %dma_start3A_24, %dma_start3A_25] : memref<32x5x25x80xi32, #tpu.memory_space<hbm>> -> memref<1x1x25x80xi32, #tpu.memory_space<hbm>>
        %dma_start3A_27 = tpu.memref_squeeze %dma_start3A_26 : memref<1x1x25x80xi32, #tpu.memory_space<hbm>> -> memref<25x80xi32, #tpu.memory_space<hbm>>
        tpu.enqueue_dma source(%dma_start3A_27 : memref<25x80xi32, #tpu.memory_space<hbm>>) target(%arg6 : memref<25x80xi32, #tpu.memory_space<vmem>>) target_semaphore(%run_scoped3A_20 : memref<!tpu.dma_semaphore, #tpu.memory_space<semaphore_mem>>)
        %dma_wait3A = arith.constant 0 : i32
        %dma_wait3A_28 = arith.constant 0 : i32
        %dma_wait3A_29 = tpu.memref_slice %arg2[%add3A, %scan3A_13, %dma_wait3A, %dma_wait3A_28] : memref<32x5x25x80xi32, #tpu.memory_space<hbm>> -> memref<1x1x25x80xi32, #tpu.memory_space<hbm>>
        %dma_wait3A_30 = tpu.memref_squeeze %dma_wait3A_29 : memref<1x1x25x80xi32, #tpu.memory_space<hbm>> -> memref<25x80xi32, #tpu.memory_space<hbm>>
        %dma_wait3A_31 = arith.constant 0 : i32
        %dma_wait3A_32 = arith.constant 0 : i32
        %dma_wait3A_33 = tpu.memref_slice %arg2[%add3A, %scan3A_13, %dma_wait3A_31, %dma_wait3A_32] : memref<32x5x25x80xi32, #tpu.memory_space<hbm>> -> memref<1x1x25x80xi32, #tpu.memory_space<hbm>>
        %dma_wait3A_34 = tpu.memref_squeeze %dma_wait3A_33 : memref<1x1x25x80xi32, #tpu.memory_space<hbm>> -> memref<25x80xi32, #tpu.memory_space<hbm>>
        tpu.wait_dma2 semaphore(%run_scoped3A_20 : memref<!tpu.dma_semaphore, #tpu.memory_space<semaphore_mem>>) src(%dma_wait3A_34 : memref<25x80xi32, #tpu.memory_space<hbm>>) dst(%arg6 : memref<25x80xi32, #tpu.memory_space<vmem>>)
        tpu.yield
      }) : () -> ()
      %scan3A_14 = arith.constant 0 : i32
      %scan3A_15 = arith.constant 0 : i32
      %scan3A_16 = arith.constant 6 : i32
      %scan3A_17 = arith.addi %scan3A_15, %scan3A_16 : i32
      %scan3A_18 = arith.constant 1 : i32
      scf.for %scan3A_20 = %scan3A_15 to %scan3A_17 step %scan3A_18  : i32 {
        %mul3A_21 = arith.constant 4 : i32
        %mul3A_22 = arith.muli %scan3A_20, %mul3A_21 : i32
        %add3A_23 = arith.constant 0 : i32
        %add3A_24 = arith.addi %mul3A_22, %add3A_23 : i32
        %dma_start3A = arith.constant 0 : i32
        %dma_start3A_25 = arith.constant 0 : i32
        %dma_start3A_26 = tpu.memref_slice %arg6[%add3A_24, %dma_start3A_25] : memref<25x80xi32, #tpu.memory_space<vmem>> -> memref<1x80xi32, #tpu.memory_space<vmem>>
        %dma_start3A_27 = tpu.memref_squeeze %dma_start3A_26 : memref<1x80xi32, #tpu.memory_space<vmem>> -> memref<80xi32, #tpu.memory_space<vmem>>
        %dma_start3A_28 = arith.constant 0 : i32
        %dma_start3A_29 = arith.constant 0 : i32
        %dma_start3A_30 = tpu.memref_slice %arg9[%dma_start3A_28, %dma_start3A_29] : memref<10240x128xf32, #tpu.memory_space<vmem_shared>> -> memref<10240x128xf32, #tpu.memory_space<vmem_shared>>
        %dma_start3A_31 = tpu.memref_slice %arg8[%dma_start3A] : memref<4x!tpu.dma_semaphore, #tpu.memory_space<semaphore_mem>> -> memref<1x!tpu.dma_semaphore, #tpu.memory_space<semaphore_mem>>
        %dma_start3A_32 = tpu.memref_squeeze %dma_start3A_31 : memref<1x!tpu.dma_semaphore, #tpu.memory_space<semaphore_mem>> -> memref<!tpu.dma_semaphore, #tpu.memory_space<semaphore_mem>>
        tpu.enqueue_indirect_dma source(%arg7 : memref<80x128xf32, #tpu.memory_space<vmem>>) target(%dma_start3A_30 : memref<10240x128xf32, #tpu.memory_space<vmem_shared>>) offsets(%dma_start3A_27 : memref<80xi32, #tpu.memory_space<vmem>>) semaphore(%dma_start3A_32 : memref<!tpu.dma_semaphore, #tpu.memory_space<semaphore_mem>>) {add = true}
        %mul3A_33 = arith.constant 4 : i32
        %mul3A_34 = arith.muli %scan3A_20, %mul3A_33 : i32
        %add3A_35 = arith.constant 1 : i32
        %add3A_36 = arith.addi %mul3A_34, %add3A_35 : i32
        %dma_start3A_37 = arith.constant 1 : i32
        %dma_start3A_38 = arith.constant 0 : i32
        %dma_start3A_39 = tpu.memref_slice %arg6[%add3A_36, %dma_start3A_38] : memref<25x80xi32, #tpu.memory_space<vmem>> -> memref<1x80xi32, #tpu.memory_space<vmem>>
        %dma_start3A_40 = tpu.memref_squeeze %dma_start3A_39 : memref<1x80xi32, #tpu.memory_space<vmem>> -> memref<80xi32, #tpu.memory_space<vmem>>
        %dma_start3A_41 = arith.constant 0 : i32
        %dma_start3A_42 = arith.constant 0 : i32
        %dma_start3A_43 = tpu.memref_slice %arg9[%dma_start3A_41, %dma_start3A_42] : memref<10240x128xf32, #tpu.memory_space<vmem_shared>> -> memref<10240x128xf32, #tpu.memory_space<vmem_shared>>
        %dma_start3A_44 = tpu.memref_slice %arg8[%dma_start3A_37] : memref<4x!tpu.dma_semaphore, #tpu.memory_space<semaphore_mem>> -> memref<1x!tpu.dma_semaphore, #tpu.memory_space<semaphore_mem>>
        %dma_start3A_45 = tpu.memref_squeeze %dma_start3A_44 : memref<1x!tpu.dma_semaphore, #tpu.memory_space<semaphore_mem>> -> memref<!tpu.dma_semaphore, #tpu.memory_space<semaphore_mem>>
        tpu.enqueue_indirect_dma source(%arg7 : memref<80x128xf32, #tpu.memory_space<vmem>>) target(%dma_start3A_43 : memref<10240x128xf32, #tpu.memory_space<vmem_shared>>) offsets(%dma_start3A_40 : memref<80xi32, #tpu.memory_space<vmem>>) semaphore(%dma_start3A_45 : memref<!tpu.dma_semaphore, #tpu.memory_space<semaphore_mem>>) {add = true}
        %mul3A_46 = arith.constant 4 : i32
        %mul3A_47 = arith.muli %scan3A_20, %mul3A_46 : i32
        %add3A_48 = arith.constant 2 : i32
        %add3A_49 = arith.addi %mul3A_47, %add3A_48 : i32
        %dma_start3A_50 = arith.constant 2 : i32
        %dma_start3A_51 = arith.constant 0 : i32
        %dma_start3A_52 = tpu.memref_slice %arg6[%add3A_49, %dma_start3A_51] : memref<25x80xi32, #tpu.memory_space<vmem>> -> memref<1x80xi32, #tpu.memory_space<vmem>>
        %dma_start3A_53 = tpu.memref_squeeze %dma_start3A_52 : memref<1x80xi32, #tpu.memory_space<vmem>> -> memref<80xi32, #tpu.memory_space<vmem>>
        %dma_start3A_54 = arith.constant 0 : i32
        %dma_start3A_55 = arith.constant 0 : i32
        %dma_start3A_56 = tpu.memref_slice %arg9[%dma_start3A_54, %dma_start3A_55] : memref<10240x128xf32, #tpu.memory_space<vmem_shared>> -> memref<10240x128xf32, #tpu.memory_space<vmem_shared>>
        %dma_start3A_57 = tpu.memref_slice %arg8[%dma_start3A_50] : memref<4x!tpu.dma_semaphore, #tpu.memory_space<semaphore_mem>> -> memref<1x!tpu.dma_semaphore, #tpu.memory_space<semaphore_mem>>
        %dma_start3A_58 = tpu.memref_squeeze %dma_start3A_57 : memref<1x!tpu.dma_semaphore, #tpu.memory_space<semaphore_mem>> -> memref<!tpu.dma_semaphore, #tpu.memory_space<semaphore_mem>>
        tpu.enqueue_indirect_dma source(%arg7 : memref<80x128xf32, #tpu.memory_space<vmem>>) target(%dma_start3A_56 : memref<10240x128xf32, #tpu.memory_space<vmem_shared>>) offsets(%dma_start3A_53 : memref<80xi32, #tpu.memory_space<vmem>>) semaphore(%dma_start3A_58 : memref<!tpu.dma_semaphore, #tpu.memory_space<semaphore_mem>>) {add = true}
        %mul3A_59 = arith.constant 4 : i32
        %mul3A_60 = arith.muli %scan3A_20, %mul3A_59 : i32
        %add3A_61 = arith.constant 3 : i32
        %add3A_62 = arith.addi %mul3A_60, %add3A_61 : i32
        %dma_start3A_63 = arith.constant 3 : i32
        %dma_start3A_64 = arith.constant 0 : i32
        %dma_start3A_65 = tpu.memref_slice %arg6[%add3A_62, %dma_start3A_64] : memref<25x80xi32, #tpu.memory_space<vmem>> -> memref<1x80xi32, #tpu.memory_space<vmem>>
        %dma_start3A_66 = tpu.memref_squeeze %dma_start3A_65 : memref<1x80xi32, #tpu.memory_space<vmem>> -> memref<80xi32, #tpu.memory_space<vmem>>
        %dma_start3A_67 = arith.constant 0 : i32
        %dma_start3A_68 = arith.constant 0 : i32
        %dma_start3A_69 = tpu.memref_slice %arg9[%dma_start3A_67, %dma_start3A_68] : memref<10240x128xf32, #tpu.memory_space<vmem_shared>> -> memref<10240x128xf32, #tpu.memory_space<vmem_shared>>
        %dma_start3A_70 = tpu.memref_slice %arg8[%dma_start3A_63] : memref<4x!tpu.dma_semaphore, #tpu.memory_space<semaphore_mem>> -> memref<1x!tpu.dma_semaphore, #tpu.memory_space<semaphore_mem>>
        %dma_start3A_71 = tpu.memref_squeeze %dma_start3A_70 : memref<1x!tpu.dma_semaphore, #tpu.memory_space<semaphore_mem>> -> memref<!tpu.dma_semaphore, #tpu.memory_space<semaphore_mem>>
        tpu.enqueue_indirect_dma source(%arg7 : memref<80x128xf32, #tpu.memory_space<vmem>>) target(%dma_start3A_69 : memref<10240x128xf32, #tpu.memory_space<vmem_shared>>) offsets(%dma_start3A_66 : memref<80xi32, #tpu.memory_space<vmem>>) semaphore(%dma_start3A_71 : memref<!tpu.dma_semaphore, #tpu.memory_space<semaphore_mem>>) {add = true}
        %dma_wait3A = arith.constant 0 : i32
        %dma_wait3A_72 = arith.constant 0 : i32
        %dma_wait3A_73 = tpu.memref_slice %arg6[%add3A_24, %dma_wait3A_72] : memref<25x80xi32, #tpu.memory_space<vmem>> -> memref<1x80xi32, #tpu.memory_space<vmem>>
        %dma_wait3A_74 = tpu.memref_squeeze %dma_wait3A_73 : memref<1x80xi32, #tpu.memory_space<vmem>> -> memref<80xi32, #tpu.memory_space<vmem>>
        %dma_wait3A_75 = arith.constant 0 : i32
        %dma_wait3A_76 = arith.constant 0 : i32
        %dma_wait3A_77 = tpu.memref_slice %arg9[%dma_wait3A_75, %dma_wait3A_76] : memref<10240x128xf32, #tpu.memory_space<vmem_shared>> -> memref<10240x128xf32, #tpu.memory_space<vmem_shared>>
        %dma_wait3A_78 = tpu.memref_slice %arg8[%dma_wait3A] : memref<4x!tpu.dma_semaphore, #tpu.memory_space<semaphore_mem>> -> memref<1x!tpu.dma_semaphore, #tpu.memory_space<semaphore_mem>>
        %dma_wait3A_79 = tpu.memref_squeeze %dma_wait3A_78 : memref<1x!tpu.dma_semaphore, #tpu.memory_space<semaphore_mem>> -> memref<!tpu.dma_semaphore, #tpu.memory_space<semaphore_mem>>
        tpu.wait_indirect_dma semaphore(%dma_wait3A_79 : memref<!tpu.dma_semaphore, #tpu.memory_space<semaphore_mem>>) src(%arg7 : memref<80x128xf32, #tpu.memory_space<vmem>>) dst(%dma_wait3A_77 : memref<10240x128xf32, #tpu.memory_space<vmem_shared>>)
        %dma_wait3A_80 = arith.constant 1 : i32
        %dma_wait3A_81 = arith.constant 0 : i32
        %dma_wait3A_82 = tpu.memref_slice %arg6[%add3A_36, %dma_wait3A_81] : memref<25x80xi32, #tpu.memory_space<vmem>> -> memref<1x80xi32, #tpu.memory_space<vmem>>
        %dma_wait3A_83 = tpu.memref_squeeze %dma_wait3A_82 : memref<1x80xi32, #tpu.memory_space<vmem>> -> memref<80xi32, #tpu.memory_space<vmem>>
        %dma_wait3A_84 = arith.constant 0 : i32
        %dma_wait3A_85 = arith.constant 0 : i32
        %dma_wait3A_86 = tpu.memref_slice %arg9[%dma_wait3A_84, %dma_wait3A_85] : memref<10240x128xf32, #tpu.memory_space<vmem_shared>> -> memref<10240x128xf32, #tpu.memory_space<vmem_shared>>
        %dma_wait3A_87 = tpu.memref_slice %arg8[%dma_wait3A_80] : memref<4x!tpu.dma_semaphore, #tpu.memory_space<semaphore_mem>> -> memref<1x!tpu.dma_semaphore, #tpu.memory_space<semaphore_mem>>
        %dma_wait3A_88 = tpu.memref_squeeze %dma_wait3A_87 : memref<1x!tpu.dma_semaphore, #tpu.memory_space<semaphore_mem>> -> memref<!tpu.dma_semaphore, #tpu.memory_space<semaphore_mem>>
        tpu.wait_indirect_dma semaphore(%dma_wait3A_88 : memref<!tpu.dma_semaphore, #tpu.memory_space<semaphore_mem>>) src(%arg7 : memref<80x128xf32, #tpu.memory_space<vmem>>) dst(%dma_wait3A_86 : memref<10240x128xf32, #tpu.memory_space<vmem_shared>>)
        %dma_wait3A_89 = arith.constant 2 : i32
        %dma_wait3A_90 = arith.constant 0 : i32
        %dma_wait3A_91 = tpu.memref_slice %arg6[%add3A_49, %dma_wait3A_90] : memref<25x80xi32, #tpu.memory_space<vmem>> -> memref<1x80xi32, #tpu.memory_space<vmem>>
        %dma_wait3A_92 = tpu.memref_squeeze %dma_wait3A_91 : memref<1x80xi32, #tpu.memory_space<vmem>> -> memref<80xi32, #tpu.memory_space<vmem>>
        %dma_wait3A_93 = arith.constant 0 : i32
        %dma_wait3A_94 = arith.constant 0 : i32
        %dma_wait3A_95 = tpu.memref_slice %arg9[%dma_wait3A_93, %dma_wait3A_94] : memref<10240x128xf32, #tpu.memory_space<vmem_shared>> -> memref<10240x128xf32, #tpu.memory_space<vmem_shared>>
        %dma_wait3A_96 = tpu.memref_slice %arg8[%dma_wait3A_89] : memref<4x!tpu.dma_semaphore, #tpu.memory_space<semaphore_mem>> -> memref<1x!tpu.dma_semaphore, #tpu.memory_space<semaphore_mem>>
        %dma_wait3A_97 = tpu.memref_squeeze %dma_wait3A_96 : memref<1x!tpu.dma_semaphore, #tpu.memory_space<semaphore_mem>> -> memref<!tpu.dma_semaphore, #tpu.memory_space<semaphore_mem>>
        tpu.wait_indirect_dma semaphore(%dma_wait3A_97 : memref<!tpu.dma_semaphore, #tpu.memory_space<semaphore_mem>>) src(%arg7 : memref<80x128xf32, #tpu.memory_space<vmem>>) dst(%dma_wait3A_95 : memref<10240x128xf32, #tpu.memory_space<vmem_shared>>)
        %dma_wait3A_98 = arith.constant 3 : i32
        %dma_wait3A_99 = arith.constant 0 : i32
        %dma_wait3A_100 = tpu.memref_slice %arg6[%add3A_62, %dma_wait3A_99] : memref<25x80xi32, #tpu.memory_space<vmem>> -> memref<1x80xi32, #tpu.memory_space<vmem>>
        %dma_wait3A_101 = tpu.memref_squeeze %dma_wait3A_100 : memref<1x80xi32, #tpu.memory_space<vmem>> -> memref<80xi32, #tpu.memory_space<vmem>>
        %dma_wait3A_102 = arith.constant 0 : i32
        %dma_wait3A_103 = arith.constant 0 : i32
        %dma_wait3A_104 = tpu.memref_slice %arg9[%dma_wait3A_102, %dma_wait3A_103] : memref<10240x128xf32, #tpu.memory_space<vmem_shared>> -> memref<10240x128xf32, #tpu.memory_space<vmem_shared>>
        %dma_wait3A_105 = tpu.memref_slice %arg8[%dma_wait3A_98] : memref<4x!tpu.dma_semaphore, #tpu.memory_space<semaphore_mem>> -> memref<1x!tpu.dma_semaphore, #tpu.memory_space<semaphore_mem>>
        %dma_wait3A_106 = tpu.memref_squeeze %dma_wait3A_105 : memref<1x!tpu.dma_semaphore, #tpu.memory_space<semaphore_mem>> -> memref<!tpu.dma_semaphore, #tpu.memory_space<semaphore_mem>>
        tpu.wait_indirect_dma semaphore(%dma_wait3A_106 : memref<!tpu.dma_semaphore, #tpu.memory_space<semaphore_mem>>) src(%arg7 : memref<80x128xf32, #tpu.memory_space<vmem>>) dst(%dma_wait3A_104 : memref<10240x128xf32, #tpu.memory_space<vmem_shared>>)
      }
      %scan3A_19 = arith.constant 6 : i32
      %run_scoped3A = arith.constant 24 : i32
      "tpu.region"() ({
        %run_scoped3A_20 = tpu.sem_alloc : memref<!tpu.dma_semaphore, #tpu.memory_space<semaphore_mem>>
        %dma_start3A = arith.constant 0 : i32
        %dma_start3A_21 = tpu.memref_slice %arg6[%run_scoped3A, %dma_start3A] : memref<25x80xi32, #tpu.memory_space<vmem>> -> memref<1x80xi32, #tpu.memory_space<vmem>>
        %dma_start3A_22 = tpu.memref_squeeze %dma_start3A_21 : memref<1x80xi32, #tpu.memory_space<vmem>> -> memref<80xi32, #tpu.memory_space<vmem>>
        %dma_start3A_23 = arith.constant 0 : i32
        %dma_start3A_24 = arith.constant 0 : i32
        %dma_start3A_25 = tpu.memref_slice %arg9[%dma_start3A_23, %dma_start3A_24] : memref<10240x128xf32, #tpu.memory_space<vmem_shared>> -> memref<10240x128xf32, #tpu.memory_space<vmem_shared>>
        tpu.enqueue_indirect_dma source(%arg7 : memref<80x128xf32, #tpu.memory_space<vmem>>) target(%dma_start3A_25 : memref<10240x128xf32, #tpu.memory_space<vmem_shared>>) offsets(%dma_start3A_22 : memref<80xi32, #tpu.memory_space<vmem>>) semaphore(%run_scoped3A_20 : memref<!tpu.dma_semaphore, #tpu.memory_space<semaphore_mem>>) {add = true}
        %dma_wait3A = arith.constant 0 : i32
        %dma_wait3A_26 = tpu.memref_slice %arg6[%run_scoped3A, %dma_wait3A] : memref<25x80xi32, #tpu.memory_space<vmem>> -> memref<1x80xi32, #tpu.memory_space<vmem>>
        %dma_wait3A_27 = tpu.memref_squeeze %dma_wait3A_26 : memref<1x80xi32, #tpu.memory_space<vmem>> -> memref<80xi32, #tpu.memory_space<vmem>>
        %dma_wait3A_28 = arith.constant 0 : i32
        %dma_wait3A_29 = arith.constant 0 : i32
        %dma_wait3A_30 = tpu.memref_slice %arg9[%dma_wait3A_28, %dma_wait3A_29] : memref<10240x128xf32, #tpu.memory_space<vmem_shared>> -> memref<10240x128xf32, #tpu.memory_space<vmem_shared>>
        tpu.wait_indirect_dma semaphore(%run_scoped3A_20 : memref<!tpu.dma_semaphore, #tpu.memory_space<semaphore_mem>>) src(%arg7 : memref<80x128xf32, #tpu.memory_space<vmem>>) dst(%dma_wait3A_30 : memref<10240x128xf32, #tpu.memory_space<vmem_shared>>)
        tpu.yield
      }) : () -> ()
    }
    %scan3A_7 = arith.constant 5 : i32
    %barrier3A_8 = arith.constant 0 : index
    tpu.barrier barrier_id(%barrier3A_8)
    %mul3A_9 = arith.constant 640 : i32
    %mul3A_10 = arith.muli %arg1, %mul3A_9 : i32
    %mul3A_11 = arith.constant 640 : i32
    %mul3A_12 = arith.muli %arg1, %mul3A_11 : i32
    "tpu.region"() ({
      %run_scoped3A = tpu.sem_alloc : memref<!tpu.dma_semaphore, #tpu.memory_space<semaphore_mem>>
      %dma_start3A = arith.constant 0 : i32
      %dma_start3A_13 = tpu.memref_slice %arg5[%arg0, %mul3A_12, %dma_start3A] : memref<2x10240x128xf32, #tpu.memory_space<hbm>> -> memref<1x640x128xf32, #tpu.memory_space<hbm>>
      %dma_start3A_14 = tpu.memref_squeeze %dma_start3A_13 : memref<1x640x128xf32, #tpu.memory_space<hbm>> -> memref<640x128xf32, #tpu.memory_space<hbm>>
      %dma_start3A_15 = arith.constant 0 : i32
      %dma_start3A_16 = tpu.memref_slice %arg9[%mul3A_10, %dma_start3A_15] : memref<10240x128xf32, #tpu.memory_space<vmem_shared>> -> memref<640x128xf32, #tpu.memory_space<vmem_shared>>
      tpu.enqueue_dma source(%dma_start3A_16 : memref<640x128xf32, #tpu.memory_space<vmem_shared>>) target(%dma_start3A_14 : memref<640x128xf32, #tpu.memory_space<hbm>>) target_semaphore(%run_scoped3A : memref<!tpu.dma_semaphore, #tpu.memory_space<semaphore_mem>>)
      %dma_wait3A = arith.constant 0 : i32
      %dma_wait3A_17 = tpu.memref_slice %arg5[%arg0, %mul3A_12, %dma_wait3A] : memref<2x10240x128xf32, #tpu.memory_space<hbm>> -> memref<1x640x128xf32, #tpu.memory_space<hbm>>
      %dma_wait3A_18 = tpu.memref_squeeze %dma_wait3A_17 : memref<1x640x128xf32, #tpu.memory_space<hbm>> -> memref<640x128xf32, #tpu.memory_space<hbm>>
      %dma_wait3A_19 = arith.constant 0 : i32
      %dma_wait3A_20 = tpu.memref_slice %arg9[%mul3A_10, %dma_wait3A_19] : memref<10240x128xf32, #tpu.memory_space<vmem_shared>> -> memref<640x128xf32, #tpu.memory_space<vmem_shared>>
      tpu.wait_dma2 semaphore(%run_scoped3A : memref<!tpu.dma_semaphore, #tpu.memory_space<semaphore_mem>>) src(%dma_wait3A_20 : memref<640x128xf32, #tpu.memory_space<vmem_shared>>) dst(%dma_wait3A_18 : memref<640x128xf32, #tpu.memory_space<hbm>>)
      tpu.yield
    }) : () -> ()
    return
  }
}

module attributes {stable_mosaic.version = 14 : i64} {
  func.func @_linear_body(%arg0: i32, %arg1: memref<2x1000x128xf32, #tpu.memory_space<vmem>>, %arg2: memref<1000x128xf32, #tpu.memory_space<vmem>>, %arg3: memref<128x128xf32, #tpu.memory_space<vmem>>, %arg4: memref<1000x128xf32, #tpu.memory_space<vmem>>) attributes {dimension_semantics = [#tpu.dimension_semantics<arbitrary>], iteration_bounds = array<i64: 10>, scalar_prefetch = 0 : i64, scratch_operands = 0 : i64, tpu.core_type = #tpu.core_type<tc>, window_params = [{transform_indices = @transform_0, window_bounds = array<i64: 2, 1000, 128>}, {transform_indices = @transform_1, window_bounds = array<i64: 1000, 128>}, {pipeline_mode = #tpu.pipeline_mode<synchronous>, transform_indices = @transform_2, window_bounds = array<i64: 128, 128>}, {transform_indices = @transform_3, window_bounds = array<i64: 1000, 128>}]} {
    %get3A = arith.constant 0 : index
    %get3A_0 = arith.constant 0 : index
    %get3A_1 = arith.constant 0 : index
    %get3A_2 = vector.load %arg1[%get3A, %get3A_0, %get3A_1] : memref<2x1000x128xf32, #tpu.memory_space<vmem>>, vector<1x1000x128xf32>
    %get3A_3 = vector.shape_cast %get3A_2 : vector<1x1000x128xf32> to vector<1000x128xf32>
    %get3A_4 = arith.constant 1 : index
    %get3A_5 = arith.constant 0 : index
    %get3A_6 = arith.constant 0 : index
    %get3A_7 = vector.load %arg1[%get3A_4, %get3A_5, %get3A_6] : memref<2x1000x128xf32, #tpu.memory_space<vmem>>, vector<1x1000x128xf32>
    %get3A_8 = vector.shape_cast %get3A_7 : vector<1x1000x128xf32> to vector<1000x128xf32>
    %add3A = arith.addf %get3A_3, %get3A_8 : vector<1000x128xf32>
    %add3A_9 = arith.constant 1.000000e+00 : f32
    %add3A_10 = vector.broadcast %add3A_9 : f32 to vector<1000x128xf32>
    %add3A_11 = arith.addf %add3A, %add3A_10 : vector<1000x128xf32>
    %rsqrt3A = math.rsqrt %add3A_11 : vector<1000x128xf32>
    %get3A_12 = arith.constant 0 : index
    %get3A_13 = arith.constant 0 : index
    %get3A_14 = vector.load %arg2[%get3A_12, %get3A_13] : memref<1000x128xf32, #tpu.memory_space<vmem>>, vector<1000x128xf32>
    %get3A_15 = arith.constant 0 : index
    %get3A_16 = arith.constant 0 : index
    %get3A_17 = vector.load %arg3[%get3A_15, %get3A_16] : memref<128x128xf32, #tpu.memory_space<vmem>>, vector<128x128xf32>
    %dot_general3A = arith.constant dense<0.000000e+00> : vector<1000x128xf32>
    %dot_general3A_18 = tpu.matmul %get3A_14, %get3A_17, %dot_general3A {dimension_numbers = #tpu.dot_dimension_numbers<[1], [0], [0], [1], [0, 0, 1, 1], [], []>, transpose_lhs_hint = false} : vector<1000x128xf32>, vector<128x128xf32>, vector<1000x128xf32> -> vector<1000x128xf32>
    %mul3A = arith.mulf %dot_general3A_18, %rsqrt3A : vector<1000x128xf32>
    %swap3A = arith.constant 0 : index
    %swap3A_19 = arith.constant 0 : index
    %swap3A_20 = vector.load %arg4[%swap3A, %swap3A_19] : memref<1000x128xf32, #tpu.memory_space<vmem>>, vector<1000x128xf32>
    tpu.vector_store %arg4[%swap3A, %swap3A_19], %mul3A {strides = array<i32>} : memref<1000x128xf32, #tpu.memory_space<vmem>>, vector<1000x128xf32>,
    return
  }
  func.func @transform_0(%arg0: i32) -> (i32, i32, i32) {
    %c0_i32 = arith.constant 0 : i32
    %c0_i32_0 = arith.constant 0 : i32
    %c0_i32_1 = arith.constant 0 : i32
    return %c0_i32, %arg0, %c0_i32_0 : i32, i32, i32
  }
  func.func @transform_1(%arg0: i32) -> (i32, i32) {
    %c0_i32 = arith.constant 0 : i32
    %c0_i32_0 = arith.constant 0 : i32
    return %arg0, %c0_i32 : i32, i32
  }
  func.func @transform_2(%arg0: i32) -> (i32, i32) {
    %c0_i32 = arith.constant 0 : i32
    %c0_i32_0 = arith.constant 0 : i32
    %c0_i32_1 = arith.constant 0 : i32
    return %c0_i32, %c0_i32_0 : i32, i32
  }
  func.func @transform_3(%arg0: i32) -> (i32, i32) {
    %c0_i32 = arith.constant 0 : i32
    %c0_i32_0 = arith.constant 0 : i32
    return %arg0, %c0_i32 : i32, i32
  }
}

module attributes {stable_mosaic.version = 14 : i64} {
  func.func @_finish_body(%arg0: i32, %arg1: memref<2x1000x128xf32, #tpu.memory_space<vmem>>, %arg2: memref<2x1000x128xf32, #tpu.memory_space<vmem>>, %arg3: memref<1000x128xf32, #tpu.memory_space<vmem>>, %arg4: memref<1x128xf32, #tpu.memory_space<vmem>>, %arg5: memref<1000x128xf32, #tpu.memory_space<vmem>>) attributes {dimension_semantics = [#tpu.dimension_semantics<arbitrary>], iteration_bounds = array<i64: 10>, scalar_prefetch = 0 : i64, scratch_operands = 0 : i64, tpu.core_type = #tpu.core_type<tc>, window_params = [{transform_indices = @transform_0, window_bounds = array<i64: 2, 1000, 128>}, {transform_indices = @transform_1, window_bounds = array<i64: 2, 1000, 128>}, {transform_indices = @transform_2, window_bounds = array<i64: 1000, 128>}, {pipeline_mode = #tpu.pipeline_mode<synchronous>, transform_indices = @transform_3, window_bounds = array<i64: 1, 128>}, {transform_indices = @transform_4, window_bounds = array<i64: 1000, 128>}]} {
    %get3A = arith.constant 0 : index
    %get3A_0 = arith.constant 0 : index
    %get3A_1 = arith.constant 0 : index
    %get3A_2 = vector.load %arg1[%get3A, %get3A_0, %get3A_1] : memref<2x1000x128xf32, #tpu.memory_space<vmem>>, vector<1x1000x128xf32>
    %get3A_3 = vector.shape_cast %get3A_2 : vector<1x1000x128xf32> to vector<1000x128xf32>
    %get3A_4 = arith.constant 1 : index
    %get3A_5 = arith.constant 0 : index
    %get3A_6 = arith.constant 0 : index
    %get3A_7 = vector.load %arg1[%get3A_4, %get3A_5, %get3A_6] : memref<2x1000x128xf32, #tpu.memory_space<vmem>>, vector<1x1000x128xf32>
    %get3A_8 = vector.shape_cast %get3A_7 : vector<1x1000x128xf32> to vector<1000x128xf32>
    %add3A = arith.addf %get3A_3, %get3A_8 : vector<1000x128xf32>
    %add3A_9 = arith.constant 1.000000e+00 : f32
    %add3A_10 = vector.broadcast %add3A_9 : f32 to vector<1000x128xf32>
    %add3A_11 = arith.addf %add3A, %add3A_10 : vector<1000x128xf32>
    %rsqrt3A = math.rsqrt %add3A_11 : vector<1000x128xf32>
    %get3A_12 = arith.constant 0 : index
    %get3A_13 = arith.constant 0 : index
    %get3A_14 = arith.constant 0 : index
    %get3A_15 = vector.load %arg2[%get3A_12, %get3A_13, %get3A_14] : memref<2x1000x128xf32, #tpu.memory_space<vmem>>, vector<1x1000x128xf32>
    %get3A_16 = vector.shape_cast %get3A_15 : vector<1x1000x128xf32> to vector<1000x128xf32>
    %get3A_17 = arith.constant 1 : index
    %get3A_18 = arith.constant 0 : index
    %get3A_19 = arith.constant 0 : index
    %get3A_20 = vector.load %arg2[%get3A_17, %get3A_18, %get3A_19] : memref<2x1000x128xf32, #tpu.memory_space<vmem>>, vector<1x1000x128xf32>
    %get3A_21 = vector.shape_cast %get3A_20 : vector<1x1000x128xf32> to vector<1000x128xf32>
    %add3A_22 = arith.addf %get3A_16, %get3A_21 : vector<1000x128xf32>
    %get3A_23 = arith.constant 0 : index
    %get3A_24 = arith.constant 0 : index
    %get3A_25 = vector.load %arg3[%get3A_23, %get3A_24] : memref<1000x128xf32, #tpu.memory_space<vmem>>, vector<1000x128xf32>
    %add3A_26 = arith.addf %add3A_22, %get3A_25 : vector<1000x128xf32>
    %mul3A = arith.mulf %add3A_26, %rsqrt3A : vector<1000x128xf32>
    %get3A_27 = arith.constant 0 : index
    %get3A_28 = arith.constant 0 : index
    %get3A_29 = vector.load %arg4[%get3A_27, %get3A_28] : memref<1x128xf32, #tpu.memory_space<vmem>>, vector<1x128xf32>
    %add3A_30 = vector.broadcast %get3A_29 : vector<1x128xf32> to vector<1000x128xf32>
    %add3A_31 = arith.addf %mul3A, %add3A_30 : vector<1000x128xf32>
    %max3A = arith.constant 0.000000e+00 : f32
    %max3A_32 = vector.broadcast %max3A : f32 to vector<1000x128xf32>
    %max3A_33 = arith.maximumf %add3A_31, %max3A_32 : vector<1000x128xf32>
    %swap3A = arith.constant 0 : index
    %swap3A_34 = arith.constant 0 : index
    %swap3A_35 = vector.load %arg5[%swap3A, %swap3A_34] : memref<1000x128xf32, #tpu.memory_space<vmem>>, vector<1000x128xf32>
    tpu.vector_store %arg5[%swap3A, %swap3A_34], %max3A_33 {strides = array<i32>} : memref<1000x128xf32, #tpu.memory_space<vmem>>, vector<1000x128xf32>,
    return
  }
  func.func @transform_0(%arg0: i32) -> (i32, i32, i32) {
    %c0_i32 = arith.constant 0 : i32
    %c0_i32_0 = arith.constant 0 : i32
    %c0_i32_1 = arith.constant 0 : i32
    return %c0_i32, %arg0, %c0_i32_0 : i32, i32, i32
  }
  func.func @transform_1(%arg0: i32) -> (i32, i32, i32) {
    %c0_i32 = arith.constant 0 : i32
    %c0_i32_0 = arith.constant 0 : i32
    %c0_i32_1 = arith.constant 0 : i32
    return %c0_i32, %arg0, %c0_i32_0 : i32, i32, i32
  }
  func.func @transform_2(%arg0: i32) -> (i32, i32) {
    %c0_i32 = arith.constant 0 : i32
    %c0_i32_0 = arith.constant 0 : i32
    return %arg0, %c0_i32 : i32, i32
  }
  func.func @transform_3(%arg0: i32) -> (i32, i32) {
    %c0_i32 = arith.constant 0 : i32
    %c0_i32_0 = arith.constant 0 : i32
    %c0_i32_1 = arith.constant 0 : i32
    return %c0_i32, %c0_i32_0 : i32, i32
  }
  func.func @transform_4(%arg0: i32) -> (i32, i32) {
    %c0_i32 = arith.constant 0 : i32
    %c0_i32_0 = arith.constant 0 : i32
    return %arg0, %c0_i32 : i32, i32
  }
}

</mosaic_0001>

<sc_bundles>
// kernel: kernel.6.cloned.1.call-start
scs
__scs_entry_jumppad:
0x0: {  	(pc) =	sbr.rel $0x88, $3  }
0x1: {  	(tag) =	ssettag $0x0;
	lr =	simm.s32 $0x1  }
0x2: {  	[smem:$0x3F9D] =	sst lr;
	_ =	strace $0xD0000000  }
0x3: {  	_ = 	snop  }
0x4: {  	_ = 	snop  }
0x5: {  	_ = 	snop  }
0x6: {  	_ = 	snop  }
0x7: {  	_ = 	snop  }
__scs_overlays_trampoline_lowered:
0x8: {  	[smem:$0x3FAC] =	sst s0  }
0x9: {  	[smem:$0x3FAD] =	sst s1  }
0xa: {  	[smem:$0x3FAE] =	sst s2  }
0xb: {  	[smem:$0x3FAF] =	sst s3  }
0xc: {  	[smem:$0x3FB0] =	sst s4  }
0xd: {  	[smem:$0x3FB1] =	sst s5  }
0xe: {  	[smem:$0x3FB2] =	sst s6  }
0xf: {  	[smem:$0x3FB3] =	sst s7  }
0x10: {  	[smem:$0x3FB4] =	sst s8  }
0x11: {  	[smem:$0x3FB5] =	sst s9;
	s0 =	simm.s32 @!p0 $0x0  }
0x12: {  	s1 =	sld [smem:$0x3F9B];
	s0 =	simm.s32 @p0 $0x1  }
0x13: {  	[smem:$0x3FB6] =	sst s0;
	s0 =	simm.s32 @!p1 $0x0  }
0x14: {  	s2 =	sld [smem:$0x3F9A];
	s0 =	simm.s32 @p1 $0x1  }
0x15: {  	[smem:$0x3FB7] =	sst s0;
	s0 =	simm.s32 @!p2 $0x0  }
0x16: {  	s3 =	sld [smem:$0x3FDB];
	s0 =	simm.s32 @p2 $0x1  }
0x17: {  	s4 =	simm.s32 $0x1BF5;
	[smem:$0x3FB9] =	sst s0  }
0x18: {  	s0 =	sld [smem:$0x3F9C];
	_ =	swait.ge [sflag:s4], $0x0  }
0x19: {  	s7 =	sld [smem:$0x3F9D]  }
0x1a: {  	s8 =	sadd.s32 $0xFFFFE003, lr  }
0x1b: {  	s9 =	sadd.s32 $0xFFFFFEF7, lr;
	s5 =	simm.s32 $0xFFFFFFFF;
	p2 =	slt.u32 s8, $0xFFFFF086  }
0x1c: {  	p1 =	slt.u32 s9, $0xF7A;
	s5 =	simm.s32 @!p2 $0x0  }
0x1d: {  	s5 =	simm.s32 @p1 $0x1;
	p0 =	seq.s32 s7, s2  }
0x1e: {  	s7 =	smul.u32 @!p0 $0xF7A, s2;
	p2 =	seq.s32 @!p0 s5, $0x0  }
0x1f: {  	s9 =	smul.u32 $0xF7A, s1;
	s8 =	simm.s32 @!p0 $0x1BF5;
	p2 =	por !p2, p0  }
0x20: {  	[sflag:s8] =	ssyncset.s32 @!p0 $0xFFFFF086;
	s6 =	sadd.s32 @!p0 s3, s7;
	s7 =	simm.s32 @!p0 $0x108  }
0x21: {  	s3 =	sadd.s32 s3, s9;
	s6 =	sadd.s32 @!p0 $0x88, s6;
	s7 =	simm.s32 @p2 $0x1082  }
0x22: {  	[simem:s7], [sflag:s8] =	dma.local @!p0 [hbm:s6], $0xF7A  }
0x23: {  	s9 =	sor.u32 $0xD0000000, s2;
	s6 =	simm.s32 $0x108;
	_ =	swait.ge @!p0 [sflag:s8], $0x0  }
0x24: {  	s3 =	sadd.s32 $0x88, s3;
	s6 =	simm.s32 @!p1 $0x1082;
	[sflag:s4] =	ssyncset.s32 $0xFFFFF086  }
0x25: {  	[simem:s6], [sflag:s4] =	dma.local [hbm:s3], $0xF7A  }
0x26: {  	[smem:$0x3F9D] =	sst s1;
	(tag) =	ssettag s2;
	_ =	strace s9  }
0x27: {  	s1 =	sld [smem:$0x3FAD]  }
0x28: {  	s2 =	sld [smem:$0x3FAE]  }
0x29: {  	s4 =	sld [smem:$0x3FB0]  }
0x2a: {  	p0 =	seq.s32 s5, $0x0;
	s5 =	sld [smem:$0x3FB1]  }
0x2b: {  	s6 =	sld [smem:$0x3FB2]  }
0x2c: {  	s7 =	sld [smem:$0x3FB3]  }
0x2d: {  	s3 =	simm.s32 $0x108;
	s8 =	sld [smem:$0x3FB4]  }
0x2e: {  	s3 =	simm.s32 @!p0 $0x1082;
	s9 =	sld [smem:$0x3FB5]  }
0x2f: {  	lr =	sadd.s32 s0, s3;
	s0 =	sld [smem:$0x3FAC]  }
0x30: {  	s3 =	sld [smem:$0x3FAF]  }
0x31: {  	[smem:$0x3FB8] =	sst s10  }
0x32: {  	s10 =	sld [smem:$0x3FB6];
	_ =	sdelay $0x3  }
0x33: {  	p0 =	seq.s32 s10, $0x1;
	s10 =	sld [smem:$0x3FB8];
	_ =	sdelay $0x3  }
0x34: {  	[smem:$0x3FB8] =	sst s10  }
0x35: {  	s10 =	sld [smem:$0x3FB7];
	_ =	sdelay $0x3  }
0x36: {  	p1 =	seq.s32 s10, $0x1;
	s10 =	sld [smem:$0x3FB8];
	_ =	sdelay $0x3  }
0x37: {  	[smem:$0x3FB8] =	sst s10  }
0x38: {  	s10 =	sld [smem:$0x3FB9]  }
0x39: {  	_ = 	snop;
	(pc) =	sbr.ind lr, $3  }
0x3a: {  	_ = 	snop  }
0x3b: {  	_ = 	snop  }
0x3c: {  	p2 =	seq.s32 s10, $0x1;
	s10 =	sld [smem:$0x3FB8]  }
0x3d: {  	_ =	shalt  }
0x3e: {  	_ =	shalt  }
0x3f: {  	_ =	shalt  }
0x40: {  	_ =	shalt  }
0x41: {  	_ =	shalt  }
0x42: {  	_ =	shalt  }
0x43: {  	_ =	shalt  }
0x44: {  	_ =	shalt  }
0x45: {  	_ =	shalt  }
0x46: {  	_ =	shalt  }
0x47: {  	_ =	shalt  }
0x48: {  	_ =	shalt  }
0x49: {  	_ =	shalt  }
0x4a: {  	_ =	shalt  }
0x4b: {  	_ =	shalt  }
0x4c: {  	_ =	shalt  }
0x4d: {  	_ =	shalt  }
0x4e: {  	_ =	shalt  }
0x4f: {  	_ =	shalt  }
0x50: {  	_ =	shalt  }
0x51: {  	_ =	shalt  }
0x52: {  	_ =	shalt  }
0x53: {  	_ =	shalt  }
0x54: {  	_ =	shalt  }
0x55: {  	_ =	shalt  }
0x56: {  	_ =	shalt  }
0x57: {  	_ =	shalt  }
0x58: {  	_ =	shalt  }
0x59: {  	_ =	shalt  }
0x5a: {  	_ =	shalt  }
0x5b: {  	_ =	shalt  }
0x5c: {  	_ =	shalt  }
0x5d: {  	_ =	shalt  }
0x5e: {  	_ =	shalt  }
0x5f: {  	_ =	shalt  }
0x60: {  	_ =	shalt  }
0x61: {  	_ =	shalt  }
0x62: {  	_ =	shalt  }
0x63: {  	_ =	shalt  }
0x64: {  	_ =	shalt  }
0x65: {  	_ =	shalt  }
0x66: {  	_ =	shalt  }
0x67: {  	_ =	shalt  }
0x68: {  	_ =	shalt  }
0x69: {  	_ =	shalt  }
0x6a: {  	_ =	shalt  }
0x6b: {  	_ =	shalt  }
0x6c: {  	_ =	shalt  }
0x6d: {  	_ =	shalt  }
0x6e: {  	_ =	shalt  }
0x6f: {  	_ =	shalt  }
0x70: {  	_ =	shalt  }
0x71: {  	_ =	shalt  }
0x72: {  	_ =	shalt  }
0x73: {  	_ =	shalt  }
0x74: {  	_ =	shalt  }
0x75: {  	_ =	shalt  }
0x76: {  	_ =	shalt  }
0x77: {  	_ =	shalt  }
0x78: {  	_ =	shalt  }
0x79: {  	_ =	shalt  }
0x7a: {  	_ =	shalt  }
0x7b: {  	_ =	shalt  }
0x7c: {  	_ =	shalt  }
0x7d: {  	_ =	shalt  }
0x7e: {  	_ =	shalt  }
0x7f: {  	_ =	shalt  }
0x80: {  	_ =	shalt  }
0x81: {  	_ =	shalt  }
0x82: {  	_ =	shalt  }
0x83: {  	_ =	shalt  }
0x84: {  	_ =	shalt  }
0x85: {  	_ =	shalt  }
0x86: {  	_ =	shalt  }
0x87: {  	_ =	shalt  }
.Lfunc_end0:
.L_simem_size_0:
called_computation_lowered:
.L_overlay_start_0:
0x88: {  	s2 =	sld [smem:$0x3FD9]  }
0x89: {  	s3 =	sld [smem:$0x3FFE];
	_ =	sdelay $0x1  }
0x8a: {  	s1 =	srdreg.scid  }
0x8b: {  	s0 =	sand.u32 $0x1, s1  }
0x8c: {  	s17 =	sshll.u32 s0, $0xA;
	s2 =	sadd.s32 s3, s2  }
0x8d: {  	s2 =	sadd.s32 s2, s17  }
0x8e: {  	[smem:$0x3FC4] =	sst s2  }
0x8f: {  	_ = 	snop  }
0x90: {  	s2 =	sld [smem:$0x3FD0];
	(tm) =	ssettm $0x1  }
0x91: {  	s18 =	sld [smem:$0x3FFB];
	_ =	sdelay $0x3  }
0x92: {  	_ =	strace s18  }
0x93: {  	s3 =	sld [smem:$0x3FFC];
	_ =	sdelay $0x3  }
0x94: {  	_ =	strace s3  }
0x95: {  	s3 =	sld [smem:$0x3FFD];
	_ =	sdelay $0x3  }
0x96: {  	_ =	strace s3  }
0x97: {  	_ =	strace $0x8FFFFFFF  }
0x98: {  	s19 =	sld [smem:$0x3FDB];
	_ =	sdelay $0x1  }
0x99: {  	s4 =	simm.s32 $_scs_section_size  }
0x9a: {  	s5 =	simm.s32 $_size__tile_overlayer_lowered;
	s6 =	simm.s32 $_tile_overlayer_lowered  }
0x9b: {  	s22 =	simm.s32 $0x1BFF;
	s21 =	sshll.u32 s6, $0x1;
	s3 =	sadd.s32 s4, s19  }
0x9c: {  	s7 =	simm.s32 $0x0;
	s20 =	sshll.u32 s5, $0x1;
	s5 =	sadd.s32 s21, s3  }
0x9d: {  	[timem:s7], [sflag:s22] =	dma.local [hbm:s5], s20  }
0x9e: {  	_ =	swait.ge [sflag:s22], s20  }
0x9f: {  	s4 =	ssub.s32 $0x0, s20;
	[sflag:s22] =	ssyncset.done $0x0  }
0xa0: {  	[sflag:s22] =	ssyncadd.s32 s4;
	_ =	sdelay $0x1  }
0xa1: {  	s23 =	simm.s32 $0x1B8B  }
0xa2: {  	_ =	swait.ge [sflag:s23], $0x1  }
0xa3: {  	[sflag:s23] =	ssyncset.done $0x0  }
0xa4: {  	s25 =	simm.s32 $0x1B8E;
	s24 =	sld [smem:$0x3FFE];
	[sflag:s23] =	ssyncadd.s32 $0xFFFFFFFF  }
0xa5: {  	s26 =	simm.s32 $execute0_lowered;
	[smem:$0x3FD2] =	sst s25  }
0xa6: {  	s5 =	sshll.u32 s26, $0x1;
	_ =	strace $0x80000046;
	[dreg:$0x1] =	wrdreg $0xFFFFFFFF  }
0xa7: {  	s28 =	simm.s32 $_size_execute0_lowered;
	s3 =	sadd.s32 s3, s5;
	[dreg:$0x0] =	wrdreg $0x0  }
0xa8: {  	s5 =	sshll.u32 s28, $0x1;
	[dreg:$0x2] =	wrdreg s3  }
0xa9: {  	[dreg:$0x3] =	wrdreg s5  }
0xaa: {  	[dreg:$0x4] =	wrdreg $0xC0  }
0xab: {  	_ =	task [dreg:s7], $0x5FFFF  }
0xac: {  	[dreg:$0x1] =	wrdreg $0xFFFFFFFF  }
0xad: {  	[dreg:$0x0] =	wrdreg $0x60  }
0xae: {  	[dreg:$0x2] =	wrdreg s24  }
0xaf: {  	[dreg:$0x3] =	wrdreg s2  }
0xb0: {  	[dreg:$0x4] =	wrdreg $0x38000  }
0xb1: {  	[dreg:$0x5] =	wrdreg $0x9  }
0xb2: {  	_ =	task.clear_ibuf [dreg:s7], $0x6FFFF;
	_ =	strace $0x90000046  }
0xb3: {  	s29 =	simm.s32 $0x9;
	_ =	strace $0x80000048  }
0xb4: {  	_ =	swait.ge [sflag:s29], $0x1  }
0xb5: {  	[sflag:s29] =	ssyncadd.s32 $0xFFFFFFFF  }
0xb6: {  	_ =	strace $0x90000048  }
0xb7: {  	_ =	sfence  }
0xb8: {  	s30 =	sld [smem:$0x0];
	_ =	sdelay $0x2  }
0xb9: {  	s31 =	sshll.u32 s1, $0xD;
	s1 =	sshrl.u32 s1, $0x2  }
0xba: {  	s3 =	sand.u32 $0x4000, s31;
	s1 =	sadd.s32 s1, s30  }
0xbb: {  	s0 =	sor.u32 s3, s0;
	s1 =	sshll.u32 s1, $0x11  }
0xbc: {  	s0 =	sor.u32 s1, s0  }
0xbd: {  	s0 =	sadd.s32 $0x8F2B, s0  }
0xbe: {  	[sflag:s0] =	ssyncadd.remote.s32 $0x1  }
0xbf: {  	_ =	sfence.sel $0xFFFF  }
0xc0: {  	[dreg:$0x0] =	wrdreg $0xFFFFFFFF;
	(pc) =	sbr.abs _section_cstart, $3  }
0xc1: {  	[dreg:$0x1] =	wrdreg $0xFFFFFFFF  }
0xc2: {  	_ =	task.clear_ibuf [dreg:s7], $0x2FFFF;
	_ =	strace $0x9FFFFFFF  }
0xc3: {  	(tm) =	ssettm $0x7FFFFFFF  }
tec
execute0_lowered:
.L_overlay_start_1:
0x0: {  	(tag) =	ssettag $0x1  }
0x1: {  	s0 =	rddreg [dreg:$0x0];
	s1 =	srdreg.scid  }
0x2: {  	s10 =	stileid.u32;
	s3 =	rddreg [dreg:$0x2]  }
0x3: {  	s4 =	simm.s32 $0x0;
	s8 =	simm.s32 $0x1000;
	s9 =	simm.s32 $0x5  }
0x4: {  	s22 =	simm.s32 $0x80;
	s23 =	simm.s32 $0x100;
	s24 =	simm.s32 $0x180  }
0x5: {  	s12 =	simm.s32 $0x50;
	s13 =	simm.s32 $0x1;
	s14 =	simm.s32 $0x2  }
0x6: {  	s15 =	simm.s32 $0x3;
	s25 =	simm.s32 $0x200;
	s26 =	simm.s32 $0x280  }
0x7: {  	s28 =	simm.s32 $0x800;
	s29 =	simm.s32 $0x880;
	s30 =	simm.s32 $0x900  }
0x8: {  	s2 =	smul.u32 $0xA000, s10;
	[smem:$0x7FF] =	sst s4;
	s7 =	sadd.s32 $0x15200, s0  }
0x9: {  	s6 =	smul.u32 $0x14000, s10;
	_ =	strace $0x80000047;
	[dreg:$0xa] =	wrdreg s7  }
0xa: {  	s1 =	sand.u32 $0x1, s1;
	s17 =	smul.u32 $0x50000, s10;
	[dreg:$0x5] =	wrdreg s22  }
0xb: {  	s31 =	simm.s32 $0x980;
	s5 =	smul.u32 $0x5000, s1;
	[dreg:$0x6] =	wrdreg s23  }
0xc: {  	s21 =	sshll.u32 s10, $0x6;
	s16 =	smul.u32 $0x140000, s1;
	[dreg:$0x7] =	wrdreg s24  }
0xd: {  	s1 =	ssub.s32 $0x2, s1;
	s10 =	sor.u32 $0x1C05, s21;
	[dreg:$0x8] =	wrdreg s25  }
0xe: {  	[dreg:$0x9] =	wrdreg s26;
	s21 =	simm.s32 $0x500;
	s22 =	simm.s32 $0x580  }
0xf: {  	s23 =	simm.s32 $0x600;
	s24 =	simm.s32 $0x680;
	s25 =	simm.s32 $0x700  }
0x10: {  	s26 =	simm.s32 $0x780;
	s18 =	sshrl.u32 s1, $0x1;
	s19 =	sshrl.u32 s17, $0x2  }
0x11: {  	s17 =	simm.s32 $0x0;
	[dreg:$0xd] =	wrdreg s10;
	s2 =	sadd.s32 s5, s2  }
0x12: {  	s5 =	sadd.s32 s6, s16;
	s1 =	ssub.s32 s1, s18;
	s16 =	simm.s32 $0x4  }
0x13: {  	s18 =	simm.s32 $0x380;
	s6 =	simm.s32 $0xC00;
	s2 =	sshrl.u32 s2, $0x3  }
0x14: {  	s5 =	sshrl.u32 s5, $0x3;
	s1 =	smax.u32 s1, $0x1;
	s2 =	sadd.s32 s2, s0  }
0x15: {  	s0 =	sadd.s32 s5, s0;
	s5 =	sadd.s32 s19, s3;
	[dreg:$0xc] =	wrdreg s1  }
0x16: {  	s19 =	simm.s32 $0x400;
	s1 =	simm.s32 $0xA00;
	s0 =	sadd.s32 $0x17A00, s0  }
0x17: {  	s20 =	sadd.s32 $0x1200, s2;
	s11 =	sshrl.u32 s5, $0x3;
	[dreg:$0xb] =	wrdreg s0  }
0x18: {  	s2 =	simm.s32 $0xB00;
	s5 =	simm.s32 $0xB80;
	[dreg:$0x4] =	wrdreg s20  }
0x19: {  	s20 =	simm.s32 $0x480;
	s0 =	simm.s32 $0xA80;
	[dreg:$0xe] =	wrdreg s11  }
.LBB2_1:
0x1a: {  	[dreg:$0xf] =	wrdreg s17  }
0x1b: {  	s7 =	rddreg [dreg:$0x1]  }
0x1c: {  	[tilespmem:s8], [sflag:$0x5] =	stream.linear.gather [hbm4b:s7+s4], $0x2800, $0x38;
	[tilespmem:$0x17800] =	vst v63  }
0x1d: {  	_ =	swait.ge [sflag:s9], $0x2800  }
0x1e: {  	[sflag:s9] =	ssyncset.done $0x0  }
0x1f: {  	s17 =	rddreg [dreg:$0xa];
	[sflag:s9] =	ssyncadd.s32 $0xFFFFD800  }
0x20: {  	[spmem:s11], [sflag:s10] =	dma.local [hbm:s17], $0x2800  }
0x21: {  	_ =	swait.ge [sflag:s9], $0x2800  }
0x22: {  	[sflag:s9] =	ssyncset.done $0x0  }
0x23: {  	[sflag:s9] =	ssyncadd.s32 $0xFFFFD800  }
0x24: {  	[bflag:$0x0] =	sbarrier.arrive $0xFFFF  }
0x25: {  	s17 =	rddreg [dreg:$0x4]  }
0x26: {  	s7 =	sadd.s32 $0x0, s17  }
0x27: {  	[tilespmem:s4], [sflag:$0x5] =	stream.linear.gather [hbm4b:s7+s4], $0xC80, $0x38;
	[tilespmem:$0x17800] =	vst v63  }
0x28: {  	_ =	swait.ge [sflag:s9], $0xC80  }
0x29: {  	[sflag:s9] =	ssyncset.done $0x0  }
0x2a: {  	[sflag:s9] =	ssyncadd.s32 $0xFFFFF380  }
0x2b: {  	[spmem:s3] =	stream.indirect.scatter.add.f32 [tilespmem:s8], [sflag:$0x1], $0x80, s4, s12, $0xb8;
	[tilespmem:$0x17800] =	vst v63  }
0x2c: {  	s10 =	rddreg [dreg:$0x5]  }
0x2d: {  	[spmem:s3] =	stream.indirect.scatter.add.f32 [tilespmem:s8], [sflag:$0x2], $0x80, s10, s12, $0xb8;
	[tilespmem:$0x17800] =	vst v63  }
0x2e: {  	s11 =	rddreg [dreg:$0x6]  }
0x2f: {  	[spmem:s3] =	stream.indirect.scatter.add.f32 [tilespmem:s8], [sflag:$0x3], $0x80, s11, s12, $0xb8;
	[tilespmem:$0x17800] =	vst v63  }
0x30: {  	s17 =	rddreg [dreg:$0x7]  }
0x31: {  	[spmem:s3] =	stream.indirect.scatter.add.f32 [tilespmem:s8], [sflag:$0x4], $0x80, s17, s12, $0xb8;
	[tilespmem:$0x17800] =	vst v63  }
0x32: {  	_ =	swait.ge [sflag:s13], $0x2800  }
0x33: {  	[sflag:s13] =	ssyncset.done $0x0  }
0x34: {  	[sflag:s13] =	ssyncadd.s32 $0xFFFFD800  }
0x35: {  	_ =	swait.ge [sflag:s14], $0x2800  }
0x36: {  	[sflag:s14] =	ssyncset.done $0x0  }
0x37: {  	[sflag:s14] =	ssyncadd.s32 $0xFFFFD800  }
0x38: {  	_ =	swait.ge [sflag:s15], $0x2800  }
0x39: {  	[sflag:s15] =	ssyncset.done $0x0  }
0x3a: {  	[sflag:s15] =	ssyncadd.s32 $0xFFFFD800  }
0x3b: {  	_ =	swait.ge [sflag:s16], $0x2800  }
0x3c: {  	[sflag:s16] =	ssyncset.done $0x0  }
0x3d: {  	s10 =	rddreg [dreg:$0x8];
	[sflag:s16] =	ssyncadd.s32 $0xFFFFD800  }
0x3e: {  	[spmem:s3] =	stream.indirect.scatter.add.f32 [tilespmem:s8], [sflag:$0x1], $0x80, s10, s12, $0xb8;
	[tilespmem:$0x17800] =	vst v63  }
0x3f: {  	s11 =	rddreg [dreg:$0x9]  }
0x40: {  	[spmem:s3] =	stream.indirect.scatter.add.f32 [tilespmem:s8], [sflag:$0x2], $0x80, s11, s12, $0xb8;
	[tilespmem:$0x17800] =	vst v63  }
0x41: {  	s17 =	simm.s32 $0x300  }
0x42: {  	[spmem:s3] =	stream.indirect.scatter.add.f32 [tilespmem:s8], [sflag:$0x3], $0x80, s17, s12, $0xb8;
	[tilespmem:$0x17800] =	vst v63  }
0x43: {  	_ = 	snop  }
0x44: {  	[spmem:s3] =	stream.indirect.scatter.add.f32 [tilespmem:s8], [sflag:$0x4], $0x80, s18, s12, $0xb8;
	[tilespmem:$0x17800] =	vst v63  }
0x45: {  	_ =	swait.ge [sflag:s13], $0x2800  }
0x46: {  	[sflag:s13] =	ssyncset.done $0x0  }
0x47: {  	[sflag:s13] =	ssyncadd.s32 $0xFFFFD800  }
0x48: {  	_ =	swait.ge [sflag:s14], $0x2800  }
0x49: {  	[sflag:s14] =	ssyncset.done $0x0  }
0x4a: {  	[sflag:s14] =	ssyncadd.s32 $0xFFFFD800  }
0x4b: {  	_ =	swait.ge [sflag:s15], $0x2800  }
0x4c: {  	[sflag:s15] =	ssyncset.done $0x0  }
0x4d: {  	[sflag:s15] =	ssyncadd.s32 $0xFFFFD800  }
0x4e: {  	_ =	swait.ge [sflag:s16], $0x2800  }
0x4f: {  	[sflag:s16] =	ssyncset.done $0x0  }
0x50: {  	[sflag:s16] =	ssyncadd.s32 $0xFFFFD800  }
0x51: {  	[spmem:s3] =	stream.indirect.scatter.add.f32 [tilespmem:s8], [sflag:$0x1], $0x80, s19, s12, $0xb8;
	[tilespmem:$0x17800] =	vst v63  }
0x52: {  	_ = 	snop  }
0x53: {  	[spmem:s3] =	stream.indirect.scatter.add.f32 [tilespmem:s8], [sflag:$0x2], $0x80, s20, s12, $0xb8;
	[tilespmem:$0x17800] =	vst v63  }
0x54: {  	_ = 	snop  }
0x55: {  	[spmem:s3] =	stream.indirect.scatter.add.f32 [tilespmem:s8], [sflag:$0x3], $0x80, s21, s12, $0xb8;
	[tilespmem:$0x17800] =	vst v63  }
0x56: {  	_ = 	snop  }
0x57: {  	[spmem:s3] =	stream.indirect.scatter.add.f32 [tilespmem:s8], [sflag:$0x4], $0x80, s22, s12, $0xb8;
	[tilespmem:$0x17800] =	vst v63  }
0x58: {  	_ =	swait.ge [sflag:s13], $0x2800  }
0x59: {  	[sflag:s13] =	ssyncset.done $0x0  }
0x5a: {  	[sflag:s13] =	ssyncadd.s32 $0xFFFFD800  }
0x5b: {  	_ =	swait.ge [sflag:s14], $0x2800  }
0x5c: {  	[sflag:s14] =	ssyncset.done $0x0  }
0x5d: {  	[sflag:s14] =	ssyncadd.s32 $0xFFFFD800  }
0x5e: {  	_ =	swait.ge [sflag:s15], $0x2800  }
0x5f: {  	[sflag:s15] =	ssyncset.done $0x0  }
0x60: {  	[sflag:s15] =	ssyncadd.s32 $0xFFFFD800  }
0x61: {  	_ =	swait.ge [sflag:s16], $0x2800  }
0x62: {  	[sflag:s16] =	ssyncset.done $0x0  }
0x63: {  	[sflag:s16] =	ssyncadd.s32 $0xFFFFD800  }
0x64: {  	[spmem:s3] =	stream.indirect.scatter.add.f32 [tilespmem:s8], [sflag:$0x1], $0x80, s23, s12, $0xb8;
	[tilespmem:$0x17800] =	vst v63  }
0x65: {  	_ = 	snop  }
0x66: {  	[spmem:s3] =	stream.indirect.scatter.add.f32 [tilespmem:s8], [sflag:$0x2], $0x80, s24, s12, $0xb8;
	[tilespmem:$0x17800] =	vst v63  }
0x67: {  	_ = 	snop  }
0x68: {  	[spmem:s3] =	stream.indirect.scatter.add.f32 [tilespmem:s8], [sflag:$0x3], $0x80, s25, s12, $0xb8;
	[tilespmem:$0x17800] =	vst v63  }
0x69: {  	_ = 	snop  }
0x6a: {  	[spmem:s3] =	stream.indirect.scatter.add.f32 [tilespmem:s8], [sflag:$0x4], $0x80, s26, s12, $0xb8;
	[tilespmem:$0x17800] =	vst v63  }
0x6b: {  	_ =	swait.ge [sflag:s13], $0x2800  }
0x6c: {  	[sflag:s13] =	ssyncset.done $0x0  }
0x6d: {  	[sflag:s13] =	ssyncadd.s32 $0xFFFFD800  }
0x6e: {  	_ =	swait.ge [sflag:s14], $0x2800  }
0x6f: {  	[sflag:s14] =	ssyncset.done $0x0  }
0x70: {  	[sflag:s14] =	ssyncadd.s32 $0xFFFFD800  }
0x71: {  	_ =	swait.ge [sflag:s15], $0x2800  }
0x72: {  	[sflag:s15] =	ssyncset.done $0x0  }
0x73: {  	[sflag:s15] =	ssyncadd.s32 $0xFFFFD800  }
0x74: {  	_ =	swait.ge [sflag:s16], $0x2800  }
0x75: {  	[sflag:s16] =	ssyncset.done $0x0  }
0x76: {  	[sflag:s16] =	ssyncadd.s32 $0xFFFFD800  }
0x77: {  	[spmem:s3] =	stream.indirect.scatter.add.f32 [tilespmem:s8], [sflag:$0x1], $0x80, s28, s12, $0xb8;
	[tilespmem:$0x17800] =	vst v63  }
0x78: {  	_ = 	snop  }
0x79: {  	[spmem:s3] =	stream.indirect.scatter.add.f32 [tilespmem:s8], [sflag:$0x2], $0x80, s29, s12, $0xb8;
	[tilespmem:$0x17800] =	vst v63  }
0x7a: {  	_ = 	snop  }
0x7b: {  	[spmem:s3] =	stream.indirect.scatter.add.f32 [tilespmem:s8], [sflag:$0x3], $0x80, s30, s12, $0xb8;
	[tilespmem:$0x17800] =	vst v63  }
0x7c: {  	_ = 	snop  }
0x7d: {  	[spmem:s3] =	stream.indirect.scatter.add.f32 [tilespmem:s8], [sflag:$0x4], $0x80, s31, s12, $0xb8;
	[tilespmem:$0x17800] =	vst v63  }
0x7e: {  	_ =	swait.ge [sflag:s13], $0x2800  }
0x7f: {  	[sflag:s13] =	ssyncset.done $0x0  }
0x80: {  	[sflag:s13] =	ssyncadd.s32 $0xFFFFD800  }
0x81: {  	_ =	swait.ge [sflag:s14], $0x2800  }
0x82: {  	[sflag:s14] =	ssyncset.done $0x0  }
0x83: {  	[sflag:s14] =	ssyncadd.s32 $0xFFFFD800  }
0x84: {  	_ =	swait.ge [sflag:s15], $0x2800  }
0x85: {  	[sflag:s15] =	ssyncset.done $0x0  }
0x86: {  	[sflag:s15] =	ssyncadd.s32 $0xFFFFD800  }
0x87: {  	_ =	swait.ge [sflag:s16], $0x2800  }
0x88: {  	[sflag:s16] =	ssyncset.done $0x0  }
0x89: {  	[sflag:s16] =	ssyncadd.s32 $0xFFFFD800  }
0x8a: {  	[spmem:s3] =	stream.indirect.scatter.add.f32 [tilespmem:s8], [sflag:$0x1], $0x80, s1, s12, $0xb8;
	[tilespmem:$0x17800] =	vst v63  }
0x8b: {  	_ = 	snop  }
0x8c: {  	[spmem:s3] =	stream.indirect.scatter.add.f32 [tilespmem:s8], [sflag:$0x2], $0x80, s0, s12, $0xb8;
	[tilespmem:$0x17800] =	vst v63  }
0x8d: {  	_ = 	snop  }
0x8e: {  	[spmem:s3] =	stream.indirect.scatter.add.f32 [tilespmem:s8], [sflag:$0x3], $0x80, s2, s12, $0xb8;
	[tilespmem:$0x17800] =	vst v63  }
0x8f: {  	_ = 	snop  }
0x90: {  	[spmem:s3] =	stream.indirect.scatter.add.f32 [tilespmem:s8], [sflag:$0x4], $0x80, s5, s12, $0xb8;
	[tilespmem:$0x17800] =	vst v63  }
0x91: {  	_ =	swait.ge [sflag:s13], $0x2800  }
0x92: {  	[sflag:s13] =	ssyncset.done $0x0  }
0x93: {  	[sflag:s13] =	ssyncadd.s32 $0xFFFFD800  }
0x94: {  	_ =	swait.ge [sflag:s14], $0x2800  }
0x95: {  	[sflag:s14] =	ssyncset.done $0x0  }
0x96: {  	[sflag:s14] =	ssyncadd.s32 $0xFFFFD800  }
0x97: {  	_ =	swait.ge [sflag:s15], $0x2800  }
0x98: {  	[sflag:s15] =	ssyncset.done $0x0  }
0x99: {  	[sflag:s15] =	ssyncadd.s32 $0xFFFFD800  }
0x9a: {  	_ =	swait.ge [sflag:s16], $0x2800  }
0x9b: {  	[sflag:s16] =	ssyncset.done $0x0  }
0x9c: {  	[sflag:s16] =	ssyncadd.s32 $0xFFFFD800  }
0x9d: {  	[spmem:s3] =	stream.indirect.scatter.add.f32 [tilespmem:s8], [sflag:$0x5], $0x80, s6, s12, $0xb8;
	[tilespmem:$0x17800] =	vst v63  }
0x9e: {  	s10 =	simm.s32 $0x200;
	_ =	swait.ge [sflag:s9], $0x2800  }
0x9f: {  	s11 =	simm.s32 $0x400;
	s7 =	rddreg [dreg:$0x4];
	[sflag:s9] =	ssyncset.done $0x0  }
.LBB2_2:
0xa0: {  	[sflag:s9] =	ssyncadd.s32 $0xFFFFD800;
	s7 =	sadd.s32 s10, s7  }
0xa1: {  	[tilespmem:s4], [sflag:$0x5] =	stream.linear.gather [hbm4b:s7+s4], $0xC80, $0x38;
	[tilespmem:$0x17800] =	vst v63  }
0xa2: {  	_ =	swait.ge [sflag:s9], $0xC80  }
0xa3: {  	[sflag:s9] =	ssyncset.done $0x0  }
0xa4: {  	[sflag:s9] =	ssyncadd.s32 $0xFFFFF380  }
0xa5: {  	[spmem:s3] =	stream.indirect.scatter.add.f32 [tilespmem:s8], [sflag:$0x1], $0x80, s4, s12, $0xb8;
	[tilespmem:$0x17800] =	vst v63  }
0xa6: {  	s17 =	smov.u32 s11;
	s7 =	rddreg [dreg:$0x5]  }
0xa7: {  	[spmem:s3] =	stream.indirect.scatter.add.f32 [tilespmem:s8], [sflag:$0x2], $0x80, s7, s12, $0xb8;
	[tilespmem:$0x17800] =	vst v63  }
0xa8: {  	s10 =	smov.u32 s17;
	s17 =	rddreg [dreg:$0x6]  }
0xa9: {  	[spmem:s3] =	stream.indirect.scatter.add.f32 [tilespmem:s8], [sflag:$0x3], $0x80, s17, s12, $0xb8;
	[tilespmem:$0x17800] =	vst v63  }
0xaa: {  	s7 =	rddreg [dreg:$0x7]  }
0xab: {  	[spmem:s3] =	stream.indirect.scatter.add.f32 [tilespmem:s8], [sflag:$0x4], $0x80, s7, s12, $0xb8;
	[tilespmem:$0x17800] =	vst v63  }
0xac: {  	_ =	swait.ge [sflag:s13], $0x2800  }
0xad: {  	[sflag:s13] =	ssyncset.done $0x0  }
0xae: {  	[sflag:s13] =	ssyncadd.s32 $0xFFFFD800  }
0xaf: {  	_ =	swait.ge [sflag:s14], $0x2800  }
0xb0: {  	[sflag:s14] =	ssyncset.done $0x0  }
0xb1: {  	[sflag:s14] =	ssyncadd.s32 $0xFFFFD800  }
0xb2: {  	_ =	swait.ge [sflag:s15], $0x2800  }
0xb3: {  	[sflag:s15] =	ssyncset.done $0x0  }
0xb4: {  	[sflag:s15] =	ssyncadd.s32 $0xFFFFD800  }
0xb5: {  	_ =	swait.ge [sflag:s16], $0x2800  }
0xb6: {  	[sflag:s16] =	ssyncset.done $0x0  }
0xb7: {  	s7 =	rddreg [dreg:$0x8];
	[sflag:s16] =	ssyncadd.s32 $0xFFFFD800  }
0xb8: {  	[spmem:s3] =	stream.indirect.scatter.add.f32 [tilespmem:s8], [sflag:$0x1], $0x80, s7, s12, $0xb8;
	[tilespmem:$0x17800] =	vst v63  }
0xb9: {  	s17 =	rddreg [dreg:$0x9]  }
0xba: {  	[spmem:s3] =	stream.indirect.scatter.add.f32 [tilespmem:s8], [sflag:$0x2], $0x80, s17, s12, $0xb8;
	[tilespmem:$0x17800] =	vst v63  }
0xbb: {  	s17 =	simm.s32 $0x300  }
0xbc: {  	[spmem:s3] =	stream.indirect.scatter.add.f32 [tilespmem:s8], [sflag:$0x3], $0x80, s17, s12, $0xb8;
	[tilespmem:$0x17800] =	vst v63  }
0xbd: {  	_ = 	snop  }
0xbe: {  	[spmem:s3] =	stream.indirect.scatter.add.f32 [tilespmem:s8], [sflag:$0x4], $0x80, s18, s12, $0xb8;
	[tilespmem:$0x17800] =	vst v63  }
0xbf: {  	_ =	swait.ge [sflag:s13], $0x2800  }
0xc0: {  	[sflag:s13] =	ssyncset.done $0x0  }
0xc1: {  	[sflag:s13] =	ssyncadd.s32 $0xFFFFD800  }
0xc2: {  	_ =	swait.ge [sflag:s14], $0x2800  }
0xc3: {  	[sflag:s14] =	ssyncset.done $0x0  }
0xc4: {  	[sflag:s14] =	ssyncadd.s32 $0xFFFFD800  }
0xc5: {  	_ =	swait.ge [sflag:s15], $0x2800  }
0xc6: {  	[sflag:s15] =	ssyncset.done $0x0  }
0xc7: {  	[sflag:s15] =	ssyncadd.s32 $0xFFFFD800  }
0xc8: {  	_ =	swait.ge [sflag:s16], $0x2800  }
0xc9: {  	[sflag:s16] =	ssyncset.done $0x0  }
0xca: {  	[sflag:s16] =	ssyncadd.s32 $0xFFFFD800  }
0xcb: {  	[spmem:s3] =	stream.indirect.scatter.add.f32 [tilespmem:s8], [sflag:$0x1], $0x80, s19, s12, $0xb8;
	[tilespmem:$0x17800] =	vst v63  }
0xcc: {  	_ = 	snop  }
0xcd: {  	[spmem:s3] =	stream.indirect.scatter.add.f32 [tilespmem:s8], [sflag:$0x2], $0x80, s20, s12, $0xb8;
	[tilespmem:$0x17800] =	vst v63  }
0xce: {  	_ = 	snop  }
0xcf: {  	[spmem:s3] =	stream.indirect.scatter.add.f32 [tilespmem:s8], [sflag:$0x3], $0x80, s21, s12, $0xb8;
	[tilespmem:$0x17800] =	vst v63  }
0xd0: {  	_ = 	snop  }
0xd1: {  	[spmem:s3] =	stream.indirect.scatter.add.f32 [tilespmem:s8], [sflag:$0x4], $0x80, s22, s12, $0xb8;
	[tilespmem:$0x17800] =	vst v63  }
0xd2: {  	_ =	swait.ge [sflag:s13], $0x2800  }
0xd3: {  	[sflag:s13] =	ssyncset.done $0x0  }
0xd4: {  	[sflag:s13] =	ssyncadd.s32 $0xFFFFD800  }
0xd5: {  	_ =	swait.ge [sflag:s14], $0x2800  }
0xd6: {  	[sflag:s14] =	ssyncset.done $0x0  }
0xd7: {  	[sflag:s14] =	ssyncadd.s32 $0xFFFFD800  }
0xd8: {  	_ =	swait.ge [sflag:s15], $0x2800  }
0xd9: {  	[sflag:s15] =	ssyncset.done $0x0  }
0xda: {  	[sflag:s15] =	ssyncadd.s32 $0xFFFFD800  }
0xdb: {  	_ =	swait.ge [sflag:s16], $0x2800  }
0xdc: {  	[sflag:s16] =	ssyncset.done $0x0  }
0xdd: {  	[sflag:s16] =	ssyncadd.s32 $0xFFFFD800  }
0xde: {  	[spmem:s3] =	stream.indirect.scatter.add.f32 [tilespmem:s8], [sflag:$0x1], $0x80, s23, s12, $0xb8;
	[tilespmem:$0x17800] =	vst v63  }
0xdf: {  	_ = 	snop  }
0xe0: {  	[spmem:s3] =	stream.indirect.scatter.add.f32 [tilespmem:s8], [sflag:$0x2], $0x80, s24, s12, $0xb8;
	[tilespmem:$0x17800] =	vst v63  }
0xe1: {  	_ = 	snop  }
0xe2: {  	[spmem:s3] =	stream.indirect.scatter.add.f32 [tilespmem:s8], [sflag:$0x3], $0x80, s25, s12, $0xb8;
	[tilespmem:$0x17800] =	vst v63  }
0xe3: {  	_ = 	snop  }
0xe4: {  	[spmem:s3] =	stream.indirect.scatter.add.f32 [tilespmem:s8], [sflag:$0x4], $0x80, s26, s12, $0xb8;
	[tilespmem:$0x17800] =	vst v63  }
0xe5: {  	_ =	swait.ge [sflag:s13], $0x2800  }
0xe6: {  	[sflag:s13] =	ssyncset.done $0x0  }
0xe7: {  	[sflag:s13] =	ssyncadd.s32 $0xFFFFD800  }
0xe8: {  	_ =	swait.ge [sflag:s14], $0x2800  }
0xe9: {  	[sflag:s14] =	ssyncset.done $0x0  }
0xea: {  	[sflag:s14] =	ssyncadd.s32 $0xFFFFD800  }
0xeb: {  	_ =	swait.ge [sflag:s15], $0x2800  }
0xec: {  	[sflag:s15] =	ssyncset.done $0x0  }
0xed: {  	[sflag:s15] =	ssyncadd.s32 $0xFFFFD800  }
0xee: {  	_ =	swait.ge [sflag:s16], $0x2800  }
0xef: {  	[sflag:s16] =	ssyncset.done $0x0  }
0xf0: {  	[sflag:s16] =	ssyncadd.s32 $0xFFFFD800  }
0xf1: {  	[spmem:s3] =	stream.indirect.scatter.add.f32 [tilespmem:s8], [sflag:$0x1], $0x80, s28, s12, $0xb8;
	[tilespmem:$0x17800] =	vst v63  }
0xf2: {  	_ = 	snop  }
0xf3: {  	[spmem:s3] =	stream.indirect.scatter.add.f32 [tilespmem:s8], [sflag:$0x2], $0x80, s29, s12, $0xb8;
	[tilespmem:$0x17800] =	vst v63  }
0xf4: {  	_ = 	snop  }
0xf5: {  	[spmem:s3] =	stream.indirect.scatter.add.f32 [tilespmem:s8], [sflag:$0x3], $0x80, s30, s12, $0xb8;
	[tilespmem:$0x17800] =	vst v63  }
0xf6: {  	_ = 	snop  }
0xf7: {  	[spmem:s3] =	stream.indirect.scatter.add.f32 [tilespmem:s8], [sflag:$0x4], $0x80, s31, s12, $0xb8;
	[tilespmem:$0x17800] =	vst v63  }
0xf8: {  	_ =	swait.ge [sflag:s13], $0x2800  }
0xf9: {  	[sflag:s13] =	ssyncset.done $0x0  }
0xfa: {  	[sflag:s13] =	ssyncadd.s32 $0xFFFFD800  }
0xfb: {  	_ =	swait.ge [sflag:s14], $0x2800  }
0xfc: {  	[sflag:s14] =	ssyncset.done $0x0  }
0xfd: {  	[sflag:s14] =	ssyncadd.s32 $0xFFFFD800  }
0xfe: {  	_ =	swait.ge [sflag:s15], $0x2800  }
0xff: {  	[sflag:s15] =	ssyncset.done $0x0  }
0x100: {  	[sflag:s15] =	ssyncadd.s32 $0xFFFFD800  }
0x101: {  	_ =	swait.ge [sflag:s16], $0x2800  }
0x102: {  	[sflag:s16] =	ssyncset.done $0x0  }
0x103: {  	[sflag:s16] =	ssyncadd.s32 $0xFFFFD800  }
0x104: {  	[spmem:s3] =	stream.indirect.scatter.add.f32 [tilespmem:s8], [sflag:$0x1], $0x80, s1, s12, $0xb8;
	[tilespmem:$0x17800] =	vst v63  }
0x105: {  	_ = 	snop  }
0x106: {  	[spmem:s3] =	stream.indirect.scatter.add.f32 [tilespmem:s8], [sflag:$0x2], $0x80, s0, s12, $0xb8;
	[tilespmem:$0x17800] =	vst v63  }
0x107: {  	_ = 	snop  }
0x108: {  	[spmem:s3] =	stream.indirect.scatter.add.f32 [tilespmem:s8], [sflag:$0x3], $0x80, s2, s12, $0xb8;
	[tilespmem:$0x17800] =	vst v63  }
0x109: {  	_ = 	snop  }
0x10a: {  	[spmem:s3] =	stream.indirect.scatter.add.f32 [tilespmem:s8], [sflag:$0x4], $0x80, s5, s12, $0xb8;
	[tilespmem:$0x17800] =	vst v63  }
0x10b: {  	_ =	swait.ge [sflag:s13], $0x2800  }
0x10c: {  	[sflag:s13] =	ssyncset.done $0x0  }
0x10d: {  	[sflag:s13] =	ssyncadd.s32 $0xFFFFD800  }
0x10e: {  	_ =	swait.ge [sflag:s14], $0x2800  }
0x10f: {  	[sflag:s14] =	ssyncset.done $0x0  }
0x110: {  	[sflag:s14] =	ssyncadd.s32 $0xFFFFD800  }
0x111: {  	_ =	swait.ge [sflag:s15], $0x2800  }
0x112: {  	[sflag:s15] =	ssyncset.done $0x0  }
0x113: {  	[sflag:s15] =	ssyncadd.s32 $0xFFFFD800  }
0x114: {  	p0 =	sne.s32 s11, $0x800;
	_ =	swait.ge [sflag:s16], $0x2800  }
.Ltmp0:
0x115: {  	[sflag:s16] =	ssyncset.done $0x0;
	(pc) =	sbr.rel @p0 .LBB2_2-.Ltmp0, $4  }
0x116: {  	[sflag:s16] =	ssyncadd.s32 $0xFFFFD800  }
0x117: {  	[spmem:s3] =	stream.indirect.scatter.add.f32 [tilespmem:s8], [sflag:$0x5], $0x80, s6, s12, $0xb8;
	[tilespmem:$0x17800] =	vst v63  }
0x118: {  	_ =	swait.ge [sflag:s9], $0x2800  }
0x119: {  	s11 =	sadd.s32 $0x200, s11;
	s7 =	rddreg [dreg:$0x4];
	[sflag:s9] =	ssyncset.done $0x0  }
0x11a: {  	[sflag:s9] =	ssyncadd.s32 $0xFFFFD800;
	s7 =	sadd.s32 s10, s7  }
0x11b: {  	[tilespmem:s4], [sflag:$0x5] =	stream.linear.gather [hbm4b:s7+s4], $0xC80, $0x38;
	[tilespmem:$0x17800] =	vst v63  }
0x11c: {  	_ =	swait.ge [sflag:s9], $0xC80  }
0x11d: {  	[sflag:s9] =	ssyncset.done $0x0  }
0x11e: {  	[sflag:s9] =	ssyncadd.s32 $0xFFFFF380  }
0x11f: {  	[spmem:s3] =	stream.indirect.scatter.add.f32 [tilespmem:s8], [sflag:$0x1], $0x80, s4, s12, $0xb8;
	[tilespmem:$0x17800] =	vst v63  }
0x120: {  	s10 =	rddreg [dreg:$0x5]  }
0x121: {  	[spmem:s3] =	stream.indirect.scatter.add.f32 [tilespmem:s8], [sflag:$0x2], $0x80, s10, s12, $0xb8;
	[tilespmem:$0x17800] =	vst v63  }
0x122: {  	s11 =	rddreg [dreg:$0x6]  }
0x123: {  	[spmem:s3] =	stream.indirect.scatter.add.f32 [tilespmem:s8], [sflag:$0x3], $0x80, s11, s12, $0xb8;
	[tilespmem:$0x17800] =	vst v63  }
0x124: {  	s17 =	rddreg [dreg:$0x7]  }
0x125: {  	[spmem:s3] =	stream.indirect.scatter.add.f32 [tilespmem:s8], [sflag:$0x4], $0x80, s17, s12, $0xb8;
	[tilespmem:$0x17800] =	vst v63  }
0x126: {  	_ =	swait.ge [sflag:s13], $0x2800  }
0x127: {  	[sflag:s13] =	ssyncset.done $0x0  }
0x128: {  	[sflag:s13] =	ssyncadd.s32 $0xFFFFD800  }
0x129: {  	_ =	swait.ge [sflag:s14], $0x2800  }
0x12a: {  	[sflag:s14] =	ssyncset.done $0x0  }
0x12b: {  	[sflag:s14] =	ssyncadd.s32 $0xFFFFD800  }
0x12c: {  	_ =	swait.ge [sflag:s15], $0x2800  }
0x12d: {  	[sflag:s15] =	ssyncset.done $0x0  }
0x12e: {  	[sflag:s15] =	ssyncadd.s32 $0xFFFFD800  }
0x12f: {  	_ =	swait.ge [sflag:s16], $0x2800  }
0x130: {  	[sflag:s16] =	ssyncset.done $0x0  }
0x131: {  	s11 =	rddreg [dreg:$0x8];
	[sflag:s16] =	ssyncadd.s32 $0xFFFFD800  }
0x132: {  	[spmem:s3] =	stream.indirect.scatter.add.f32 [tilespmem:s8], [sflag:$0x1], $0x80, s11, s12, $0xb8;
	[tilespmem:$0x17800] =	vst v63  }
0x133: {  	s17 =	rddreg [dreg:$0x9]  }
0x134: {  	[spmem:s3] =	stream.indirect.scatter.add.f32 [tilespmem:s8], [sflag:$0x2], $0x80, s17, s12, $0xb8;
	[tilespmem:$0x17800] =	vst v63  }
0x135: {  	s11 =	simm.s32 $0x300  }
0x136: {  	[spmem:s3] =	stream.indirect.scatter.add.f32 [tilespmem:s8], [sflag:$0x3], $0x80, s11, s12, $0xb8;
	[tilespmem:$0x17800] =	vst v63  }
0x137: {  	_ = 	snop  }
0x138: {  	[spmem:s3] =	stream.indirect.scatter.add.f32 [tilespmem:s8], [sflag:$0x4], $0x80, s18, s12, $0xb8;
	[tilespmem:$0x17800] =	vst v63  }
0x139: {  	_ =	swait.ge [sflag:s13], $0x2800  }
0x13a: {  	[sflag:s13] =	ssyncset.done $0x0  }
0x13b: {  	[sflag:s13] =	ssyncadd.s32 $0xFFFFD800  }
0x13c: {  	_ =	swait.ge [sflag:s14], $0x2800  }
0x13d: {  	[sflag:s14] =	ssyncset.done $0x0  }
0x13e: {  	[sflag:s14] =	ssyncadd.s32 $0xFFFFD800  }
0x13f: {  	_ =	swait.ge [sflag:s15], $0x2800  }
0x140: {  	[sflag:s15] =	ssyncset.done $0x0  }
0x141: {  	[sflag:s15] =	ssyncadd.s32 $0xFFFFD800  }
0x142: {  	_ =	swait.ge [sflag:s16], $0x2800  }
0x143: {  	[sflag:s16] =	ssyncset.done $0x0  }
0x144: {  	[sflag:s16] =	ssyncadd.s32 $0xFFFFD800  }
0x145: {  	[spmem:s3] =	stream.indirect.scatter.add.f32 [tilespmem:s8], [sflag:$0x1], $0x80, s19, s12, $0xb8;
	[tilespmem:$0x17800] =	vst v63  }
0x146: {  	_ = 	snop  }
0x147: {  	[spmem:s3] =	stream.indirect.scatter.add.f32 [tilespmem:s8], [sflag:$0x2], $0x80, s20, s12, $0xb8;
	[tilespmem:$0x17800] =	vst v63  }
0x148: {  	_ = 	snop  }
0x149: {  	[spmem:s3] =	stream.indirect.scatter.add.f32 [tilespmem:s8], [sflag:$0x3], $0x80, s21, s12, $0xb8;
	[tilespmem:$0x17800] =	vst v63  }
0x14a: {  	_ = 	snop  }
0x14b: {  	[spmem:s3] =	stream.indirect.scatter.add.f32 [tilespmem:s8], [sflag:$0x4], $0x80, s22, s12, $0xb8;
	[tilespmem:$0x17800] =	vst v63  }
0x14c: {  	_ =	swait.ge [sflag:s13], $0x2800  }
0x14d: {  	[sflag:s13] =	ssyncset.done $0x0  }
0x14e: {  	[sflag:s13] =	ssyncadd.s32 $0xFFFFD800  }
0x14f: {  	_ =	swait.ge [sflag:s14], $0x2800  }
0x150: {  	[sflag:s14] =	ssyncset.done $0x0  }
0x151: {  	[sflag:s14] =	ssyncadd.s32 $0xFFFFD800  }
0x152: {  	_ =	swait.ge [sflag:s15], $0x2800  }
0x153: {  	[sflag:s15] =	ssyncset.done $0x0  }
0x154: {  	[sflag:s15] =	ssyncadd.s32 $0xFFFFD800  }
0x155: {  	_ =	swait.ge [sflag:s16], $0x2800  }
0x156: {  	[sflag:s16] =	ssyncset.done $0x0  }
0x157: {  	[sflag:s16] =	ssyncadd.s32 $0xFFFFD800  }
0x158: {  	[spmem:s3] =	stream.indirect.scatter.add.f32 [tilespmem:s8], [sflag:$0x1], $0x80, s23, s12, $0xb8;
	[tilespmem:$0x17800] =	vst v63  }
0x159: {  	_ = 	snop  }
0x15a: {  	[spmem:s3] =	stream.indirect.scatter.add.f32 [tilespmem:s8], [sflag:$0x2], $0x80, s24, s12, $0xb8;
	[tilespmem:$0x17800] =	vst v63  }
0x15b: {  	_ = 	snop  }
0x15c: {  	[spmem:s3] =	stream.indirect.scatter.add.f32 [tilespmem:s8], [sflag:$0x3], $0x80, s25, s12, $0xb8;
	[tilespmem:$0x17800] =	vst v63  }
0x15d: {  	_ = 	snop  }
0x15e: {  	[spmem:s3] =	stream.indirect.scatter.add.f32 [tilespmem:s8], [sflag:$0x4], $0x80, s26, s12, $0xb8;
	[tilespmem:$0x17800] =	vst v63  }
0x15f: {  	_ =	swait.ge [sflag:s13], $0x2800  }
0x160: {  	[sflag:s13] =	ssyncset.done $0x0  }
0x161: {  	[sflag:s13] =	ssyncadd.s32 $0xFFFFD800  }
0x162: {  	_ =	swait.ge [sflag:s14], $0x2800  }
0x163: {  	[sflag:s14] =	ssyncset.done $0x0  }
0x164: {  	[sflag:s14] =	ssyncadd.s32 $0xFFFFD800  }
0x165: {  	_ =	swait.ge [sflag:s15], $0x2800  }
0x166: {  	[sflag:s15] =	ssyncset.done $0x0  }
0x167: {  	[sflag:s15] =	ssyncadd.s32 $0xFFFFD800  }
0x168: {  	_ =	swait.ge [sflag:s16], $0x2800  }
0x169: {  	[sflag:s16] =	ssyncset.done $0x0  }
0x16a: {  	[sflag:s16] =	ssyncadd.s32 $0xFFFFD800  }
0x16b: {  	[spmem:s3] =	stream.indirect.scatter.add.f32 [tilespmem:s8], [sflag:$0x1], $0x80, s28, s12, $0xb8;
	[tilespmem:$0x17800] =	vst v63  }
0x16c: {  	_ = 	snop  }
0x16d: {  	[spmem:s3] =	stream.indirect.scatter.add.f32 [tilespmem:s8], [sflag:$0x2], $0x80, s29, s12, $0xb8;
	[tilespmem:$0x17800] =	vst v63  }
0x16e: {  	_ = 	snop  }
0x16f: {  	[spmem:s3] =	stream.indirect.scatter.add.f32 [tilespmem:s8], [sflag:$0x3], $0x80, s30, s12, $0xb8;
	[tilespmem:$0x17800] =	vst v63  }
0x170: {  	_ = 	snop  }
0x171: {  	[spmem:s3] =	stream.indirect.scatter.add.f32 [tilespmem:s8], [sflag:$0x4], $0x80, s31, s12, $0xb8;
	[tilespmem:$0x17800] =	vst v63  }
0x172: {  	_ =	swait.ge [sflag:s13], $0x2800  }
0x173: {  	[sflag:s13] =	ssyncset.done $0x0  }
0x174: {  	[sflag:s13] =	ssyncadd.s32 $0xFFFFD800  }
0x175: {  	_ =	swait.ge [sflag:s14], $0x2800  }
0x176: {  	[sflag:s14] =	ssyncset.done $0x0  }
0x177: {  	[sflag:s14] =	ssyncadd.s32 $0xFFFFD800  }
0x178: {  	_ =	swait.ge [sflag:s15], $0x2800  }
0x179: {  	[sflag:s15] =	ssyncset.done $0x0  }
0x17a: {  	[sflag:s15] =	ssyncadd.s32 $0xFFFFD800  }
0x17b: {  	_ =	swait.ge [sflag:s16], $0x2800  }
0x17c: {  	[sflag:s16] =	ssyncset.done $0x0  }
0x17d: {  	[sflag:s16] =	ssyncadd.s32 $0xFFFFD800  }
0x17e: {  	[spmem:s3] =	stream.indirect.scatter.add.f32 [tilespmem:s8], [sflag:$0x1], $0x80, s1, s12, $0xb8;
	[tilespmem:$0x17800] =	vst v63  }
0x17f: {  	_ = 	snop  }
0x180: {  	[spmem:s3] =	stream.indirect.scatter.add.f32 [tilespmem:s8], [sflag:$0x2], $0x80, s0, s12, $0xb8;
	[tilespmem:$0x17800] =	vst v63  }
0x181: {  	_ = 	snop  }
0x182: {  	[spmem:s3] =	stream.indirect.scatter.add.f32 [tilespmem:s8], [sflag:$0x3], $0x80, s2, s12, $0xb8;
	[tilespmem:$0x17800] =	vst v63  }
0x183: {  	_ = 	snop  }
0x184: {  	[spmem:s3] =	stream.indirect.scatter.add.f32 [tilespmem:s8], [sflag:$0x4], $0x80, s5, s12, $0xb8;
	[tilespmem:$0x17800] =	vst v63  }
0x185: {  	_ =	swait.ge [sflag:s13], $0x2800  }
0x186: {  	[sflag:s13] =	ssyncset.done $0x0  }
0x187: {  	[sflag:s13] =	ssyncadd.s32 $0xFFFFD800  }
0x188: {  	_ =	swait.ge [sflag:s14], $0x2800  }
0x189: {  	[sflag:s14] =	ssyncset.done $0x0  }
0x18a: {  	[sflag:s14] =	ssyncadd.s32 $0xFFFFD800  }
0x18b: {  	_ =	swait.ge [sflag:s15], $0x2800  }
0x18c: {  	[sflag:s15] =	ssyncset.done $0x0  }
0x18d: {  	[sflag:s15] =	ssyncadd.s32 $0xFFFFD800  }
0x18e: {  	_ =	swait.ge [sflag:s16], $0x2800  }
0x18f: {  	[sflag:s16] =	ssyncset.done $0x0  }
0x190: {  	[sflag:s16] =	ssyncadd.s32 $0xFFFFD800  }
0x191: {  	[spmem:s3] =	stream.indirect.scatter.add.f32 [tilespmem:s8], [sflag:$0x5], $0x80, s6, s12, $0xb8;
	[tilespmem:$0x17800] =	vst v63  }
0x192: {  	_ =	swait.ge [sflag:s9], $0x2800  }
0x193: {  	[sflag:s9] =	ssyncset.done $0x0  }
0x194: {  	[sflag:s9] =	ssyncadd.s32 $0xFFFFD800  }
0x195: {  	[bflag:$0x0] =	sbarrier.arrive $0xFFFF  }
0x196: {  	s17 =	rddreg [dreg:$0xb]  }
0x197: {  	s10 =	rddreg [dreg:$0xd]  }
0x198: {  	s11 =	rddreg [dreg:$0xe]  }
0x199: {  	[hbm:s17], [sflag:s10] =	dma.local [spmem:s11], $0x2800  }
0x19a: {  	_ =	swait.ge [sflag:s9], $0x2800  }
0x19b: {  	s17 =	rddreg [dreg:$0xf]  }
0x19c: {  	s7 =	rddreg [dreg:$0xc];
	s17 =	sadd.s32 $0x1, s17  }
0x19d: {  	p0 =	sne.s32 s17, s7  }
.Ltmp1:
0x19e: {  	_ = 	snop;
	(pc) =	sbr.rel @p0 .LBB2_1-.Ltmp1, $3  }
0x19f: {  	_ =	sdelay $0x1  }
0x1a0: {  	[sflag:s9] =	ssyncset.done $0x0  }
0x1a1: {  	[sflag:s9] =	ssyncadd.s32 $0xFFFFD800  }
0x1a2: {  	_ =	sfence.sel $0x180000  }
0x1a3: {  	[bflag:$0x0] =	sbarrier.arrive $0xFFFF  }
0x1a4: {  	_ =	strace $0x90000047  }
0x1a5: {  	s0 =	stileid.u32;
	[bflag:$0x2] =	sbarrier.arrive $0xFFFF  }
0x1a6: {  	p0 =	sne.s32 s0, $0x0;
	s0 =	rddreg [dreg:$0x3]  }
0x1a7: {  	s0 =	sadd.s32 @!p0 $0x100000, s0  }
0x1a8: {  	[sflag:s0] =	ssyncadd.tile.s32 @!p0 $0x1;
	_ =	shalt  }
.Lfunc_end2:
_tile_overlayer_lowered:
.L_overlay_start_2:
0x1a9: {  	(tag) =	ssettag $0x2  }
0x1aa: {  	s0 =	rddreg [dreg:$0x0];
	s2 =	stileid.u32  }
0x1ab: {  	s1 =	rddreg [dreg:$0x1];
	p0 =	sne.s32 s2, $0x0  }
0x1ac: {  	s3 =	rddreg [dreg:$0x2];
	[bflag:$0x3] =	sbarrier.arrive $0xFFFF;
	s2 =	simm.s32 @!p0 $0x1C05  }
0x1ad: {  	[timem:s3], [sflag:s2] =	dma.local @!p0 [hbm:s0], s1  }
0x1ae: {  	s0 =	simm.s32 @!p0 $0x5  }
0x1af: {  	_ =	swait.ge @!p0 [sflag:s0], s1  }
0x1b0: {  	s1 =	ssub.s32 @!p0 $0x0, s1;
	[sflag:s0] =	ssyncset.done @!p0 $0x0  }
0x1b1: {  	[sflag:s0] =	ssyncadd.s32 @!p0 s1  }
0x1b2: {  	[bflag:$0x3] =	sbarrier.arrive $0xFFFF  }
0x1b3: {  	_ =	shalt  }

// kernel: kernel.9.cloned.1.call-start
scs
__scs_entry_jumppad:
0x0: {  	(pc) =	sbr.rel $0x88, $3  }
0x1: {  	(tag) =	ssettag $0x0;
	lr =	simm.s32 $0x1  }
0x2: {  	[smem:$0x3F9D] =	sst lr;
	_ =	strace $0xD0000000  }
0x3: {  	_ = 	snop  }
0x4: {  	_ = 	snop  }
0x5: {  	_ = 	snop  }
0x6: {  	_ = 	snop  }
0x7: {  	_ = 	snop  }
__scs_overlays_trampoline_lowered:
0x8: {  	[smem:$0x3FAC] =	sst s0  }
0x9: {  	[smem:$0x3FAD] =	sst s1  }
0xa: {  	[smem:$0x3FAE] =	sst s2  }
0xb: {  	[smem:$0x3FAF] =	sst s3  }
0xc: {  	[smem:$0x3FB0] =	sst s4  }
0xd: {  	[smem:$0x3FB1] =	sst s5  }
0xe: {  	[smem:$0x3FB2] =	sst s6  }
0xf: {  	[smem:$0x3FB3] =	sst s7  }
0x10: {  	[smem:$0x3FB4] =	sst s8  }
0x11: {  	[smem:$0x3FB5] =	sst s9;
	s0 =	simm.s32 @!p0 $0x0  }
0x12: {  	s1 =	sld [smem:$0x3F9B];
	s0 =	simm.s32 @p0 $0x1  }
0x13: {  	[smem:$0x3FB6] =	sst s0;
	s0 =	simm.s32 @!p1 $0x0  }
0x14: {  	s2 =	sld [smem:$0x3F9A];
	s0 =	simm.s32 @p1 $0x1  }
0x15: {  	[smem:$0x3FB7] =	sst s0;
	s0 =	simm.s32 @!p2 $0x0  }
0x16: {  	s3 =	sld [smem:$0x3FDB];
	s0 =	simm.s32 @p2 $0x1  }
0x17: {  	s4 =	simm.s32 $0x1BF5;
	[smem:$0x3FB9] =	sst s0  }
0x18: {  	s0 =	sld [smem:$0x3F9C];
	_ =	swait.ge [sflag:s4], $0x0  }
0x19: {  	s7 =	sld [smem:$0x3F9D]  }
0x1a: {  	s8 =	sadd.s32 $0xFFFFE003, lr  }
0x1b: {  	s9 =	sadd.s32 $0xFFFFFEF7, lr;
	s5 =	simm.s32 $0xFFFFFFFF;
	p2 =	slt.u32 s8, $0xFFFFF086  }
0x1c: {  	p1 =	slt.u32 s9, $0xF7A;
	s5 =	simm.s32 @!p2 $0x0  }
0x1d: {  	s5 =	simm.s32 @p1 $0x1;
	p0 =	seq.s32 s7, s2  }
0x1e: {  	s7 =	smul.u32 @!p0 $0xF7A, s2;
	p2 =	seq.s32 @!p0 s5, $0x0  }
0x1f: {  	s9 =	smul.u32 $0xF7A, s1;
	s8 =	simm.s32 @!p0 $0x1BF5;
	p2 =	por !p2, p0  }
0x20: {  	[sflag:s8] =	ssyncset.s32 @!p0 $0xFFFFF086;
	s6 =	sadd.s32 @!p0 s3, s7;
	s7 =	simm.s32 @!p0 $0x108  }
0x21: {  	s3 =	sadd.s32 s3, s9;
	s6 =	sadd.s32 @!p0 $0x88, s6;
	s7 =	simm.s32 @p2 $0x1082  }
0x22: {  	[simem:s7], [sflag:s8] =	dma.local @!p0 [hbm:s6], $0xF7A  }
0x23: {  	s9 =	sor.u32 $0xD0000000, s2;
	s6 =	simm.s32 $0x108;
	_ =	swait.ge @!p0 [sflag:s8], $0x0  }
0x24: {  	s3 =	sadd.s32 $0x88, s3;
	s6 =	simm.s32 @!p1 $0x1082;
	[sflag:s4] =	ssyncset.s32 $0xFFFFF086  }
0x25: {  	[simem:s6], [sflag:s4] =	dma.local [hbm:s3], $0xF7A  }
0x26: {  	[smem:$0x3F9D] =	sst s1;
	(tag) =	ssettag s2;
	_ =	strace s9  }
0x27: {  	s1 =	sld [smem:$0x3FAD]  }
0x28: {  	s2 =	sld [smem:$0x3FAE]  }
0x29: {  	s4 =	sld [smem:$0x3FB0]  }
0x2a: {  	p0 =	seq.s32 s5, $0x0;
	s5 =	sld [smem:$0x3FB1]  }
0x2b: {  	s6 =	sld [smem:$0x3FB2]  }
0x2c: {  	s7 =	sld [smem:$0x3FB3]  }
0x2d: {  	s3 =	simm.s32 $0x108;
	s8 =	sld [smem:$0x3FB4]  }
0x2e: {  	s3 =	simm.s32 @!p0 $0x1082;
	s9 =	sld [smem:$0x3FB5]  }
0x2f: {  	lr =	sadd.s32 s0, s3;
	s0 =	sld [smem:$0x3FAC]  }
0x30: {  	s3 =	sld [smem:$0x3FAF]  }
0x31: {  	[smem:$0x3FB8] =	sst s10  }
0x32: {  	s10 =	sld [smem:$0x3FB6];
	_ =	sdelay $0x3  }
0x33: {  	p0 =	seq.s32 s10, $0x1;
	s10 =	sld [smem:$0x3FB8];
	_ =	sdelay $0x3  }
0x34: {  	[smem:$0x3FB8] =	sst s10  }
0x35: {  	s10 =	sld [smem:$0x3FB7];
	_ =	sdelay $0x3  }
0x36: {  	p1 =	seq.s32 s10, $0x1;
	s10 =	sld [smem:$0x3FB8];
	_ =	sdelay $0x3  }
0x37: {  	[smem:$0x3FB8] =	sst s10  }
0x38: {  	s10 =	sld [smem:$0x3FB9]  }
0x39: {  	_ = 	snop;
	(pc) =	sbr.ind lr, $3  }
0x3a: {  	_ = 	snop  }
0x3b: {  	_ = 	snop  }
0x3c: {  	p2 =	seq.s32 s10, $0x1;
	s10 =	sld [smem:$0x3FB8]  }
0x3d: {  	_ =	shalt  }
0x3e: {  	_ =	shalt  }
0x3f: {  	_ =	shalt  }
0x40: {  	_ =	shalt  }
0x41: {  	_ =	shalt  }
0x42: {  	_ =	shalt  }
0x43: {  	_ =	shalt  }
0x44: {  	_ =	shalt  }
0x45: {  	_ =	shalt  }
0x46: {  	_ =	shalt  }
0x47: {  	_ =	shalt  }
0x48: {  	_ =	shalt  }
0x49: {  	_ =	shalt  }
0x4a: {  	_ =	shalt  }
0x4b: {  	_ =	shalt  }
0x4c: {  	_ =	shalt  }
0x4d: {  	_ =	shalt  }
0x4e: {  	_ =	shalt  }
0x4f: {  	_ =	shalt  }
0x50: {  	_ =	shalt  }
0x51: {  	_ =	shalt  }
0x52: {  	_ =	shalt  }
0x53: {  	_ =	shalt  }
0x54: {  	_ =	shalt  }
0x55: {  	_ =	shalt  }
0x56: {  	_ =	shalt  }
0x57: {  	_ =	shalt  }
0x58: {  	_ =	shalt  }
0x59: {  	_ =	shalt  }
0x5a: {  	_ =	shalt  }
0x5b: {  	_ =	shalt  }
0x5c: {  	_ =	shalt  }
0x5d: {  	_ =	shalt  }
0x5e: {  	_ =	shalt  }
0x5f: {  	_ =	shalt  }
0x60: {  	_ =	shalt  }
0x61: {  	_ =	shalt  }
0x62: {  	_ =	shalt  }
0x63: {  	_ =	shalt  }
0x64: {  	_ =	shalt  }
0x65: {  	_ =	shalt  }
0x66: {  	_ =	shalt  }
0x67: {  	_ =	shalt  }
0x68: {  	_ =	shalt  }
0x69: {  	_ =	shalt  }
0x6a: {  	_ =	shalt  }
0x6b: {  	_ =	shalt  }
0x6c: {  	_ =	shalt  }
0x6d: {  	_ =	shalt  }
0x6e: {  	_ =	shalt  }
0x6f: {  	_ =	shalt  }
0x70: {  	_ =	shalt  }
0x71: {  	_ =	shalt  }
0x72: {  	_ =	shalt  }
0x73: {  	_ =	shalt  }
0x74: {  	_ =	shalt  }
0x75: {  	_ =	shalt  }
0x76: {  	_ =	shalt  }
0x77: {  	_ =	shalt  }
0x78: {  	_ =	shalt  }
0x79: {  	_ =	shalt  }
0x7a: {  	_ =	shalt  }
0x7b: {  	_ =	shalt  }
0x7c: {  	_ =	shalt  }
0x7d: {  	_ =	shalt  }
0x7e: {  	_ =	shalt  }
0x7f: {  	_ =	shalt  }
0x80: {  	_ =	shalt  }
0x81: {  	_ =	shalt  }
0x82: {  	_ =	shalt  }
0x83: {  	_ =	shalt  }
0x84: {  	_ =	shalt  }
0x85: {  	_ =	shalt  }
0x86: {  	_ =	shalt  }
0x87: {  	_ =	shalt  }
.Lfunc_end0:
.L_simem_size_0:
called_computation.1_lowered:
.L_overlay_start_0:
0x88: {  	s2 =	sld [smem:$0x3FD9]  }
0x89: {  	s3 =	sld [smem:$0x3FFE];
	_ =	sdelay $0x1  }
0x8a: {  	s1 =	srdreg.scid  }
0x8b: {  	s0 =	sand.u32 $0x1, s1  }
0x8c: {  	s17 =	sshll.u32 s0, $0xA;
	s2 =	sadd.s32 s3, s2  }
0x8d: {  	s2 =	sadd.s32 s2, s17  }
0x8e: {  	[smem:$0x3FC4] =	sst s2  }
0x8f: {  	_ = 	snop  }
0x90: {  	s2 =	sld [smem:$0x3FD0];
	(tm) =	ssettm $0x1  }
0x91: {  	s18 =	sld [smem:$0x3FFB];
	_ =	sdelay $0x3  }
0x92: {  	_ =	strace s18  }
0x93: {  	s3 =	sld [smem:$0x3FFC];
	_ =	sdelay $0x3  }
0x94: {  	_ =	strace s3  }
0x95: {  	s3 =	sld [smem:$0x3FFD];
	_ =	sdelay $0x3  }
0x96: {  	_ =	strace s3  }
0x97: {  	_ =	strace $0x8FFFFFFF  }
0x98: {  	s19 =	sld [smem:$0x3FDB];
	_ =	sdelay $0x1  }
0x99: {  	s4 =	simm.s32 $_scs_section_size  }
0x9a: {  	s5 =	simm.s32 $_size__tile_overlayer_lowered;
	s6 =	simm.s32 $_tile_overlayer_lowered  }
0x9b: {  	s22 =	simm.s32 $0x1BFF;
	s21 =	sshll.u32 s6, $0x1;
	s3 =	sadd.s32 s4, s19  }
0x9c: {  	s7 =	simm.s32 $0x0;
	s20 =	sshll.u32 s5, $0x1;
	s5 =	sadd.s32 s21, s3  }
0x9d: {  	[timem:s7], [sflag:s22] =	dma.local [hbm:s5], s20  }
0x9e: {  	_ =	swait.ge [sflag:s22], s20  }
0x9f: {  	s4 =	ssub.s32 $0x0, s20;
	[sflag:s22] =	ssyncset.done $0x0  }
0xa0: {  	[sflag:s22] =	ssyncadd.s32 s4;
	_ =	sdelay $0x1  }
0xa1: {  	s23 =	simm.s32 $0x1B8B  }
0xa2: {  	_ =	swait.ge [sflag:s23], $0x1  }
0xa3: {  	[sflag:s23] =	ssyncset.done $0x0  }
0xa4: {  	s25 =	simm.s32 $0x1B8E;
	s24 =	sld [smem:$0x3FFE];
	[sflag:s23] =	ssyncadd.s32 $0xFFFFFFFF  }
0xa5: {  	s26 =	simm.s32 $execute0_lowered;
	[smem:$0x3FD2] =	sst s25  }
0xa6: {  	s5 =	sshll.u32 s26, $0x1;
	_ =	strace $0x80000049;
	[dreg:$0x1] =	wrdreg $0xFFFFFFFF  }
0xa7: {  	s28 =	simm.s32 $_size_execute0_lowered;
	s3 =	sadd.s32 s3, s5;
	[dreg:$0x0] =	wrdreg $0x0  }
0xa8: {  	s5 =	sshll.u32 s28, $0x1;
	[dreg:$0x2] =	wrdreg s3  }
0xa9: {  	[dreg:$0x3] =	wrdreg s5  }
0xaa: {  	[dreg:$0x4] =	wrdreg $0xC0  }
0xab: {  	_ =	task [dreg:s7], $0x5FFFF  }
0xac: {  	[dreg:$0x1] =	wrdreg $0xFFFFFFFF  }
0xad: {  	[dreg:$0x0] =	wrdreg $0x60  }
0xae: {  	[dreg:$0x2] =	wrdreg s2  }
0xaf: {  	[dreg:$0x3] =	wrdreg s24  }
0xb0: {  	[dreg:$0x4] =	wrdreg $0xC0000  }
0xb1: {  	[dreg:$0x5] =	wrdreg $0x9  }
0xb2: {  	_ =	task.clear_ibuf [dreg:s7], $0x6FFFF;
	_ =	strace $0x90000049  }
0xb3: {  	s29 =	simm.s32 $0x9;
	_ =	strace $0x8000004B  }
0xb4: {  	_ =	swait.ge [sflag:s29], $0x1  }
0xb5: {  	[sflag:s29] =	ssyncadd.s32 $0xFFFFFFFF  }
0xb6: {  	_ =	strace $0x9000004B  }
0xb7: {  	_ =	sfence  }
0xb8: {  	s30 =	sld [smem:$0x0];
	_ =	sdelay $0x2  }
0xb9: {  	s31 =	sshll.u32 s1, $0xD;
	s1 =	sshrl.u32 s1, $0x2  }
0xba: {  	s3 =	sand.u32 $0x4000, s31;
	s1 =	sadd.s32 s1, s30  }
0xbb: {  	s0 =	sor.u32 s3, s0;
	s1 =	sshll.u32 s1, $0x11  }
0xbc: {  	s0 =	sor.u32 s1, s0  }
0xbd: {  	s0 =	sadd.s32 $0x8F2B, s0  }
0xbe: {  	[sflag:s0] =	ssyncadd.remote.s32 $0x1  }
0xbf: {  	_ =	sfence.sel $0xFFFF  }
0xc0: {  	[dreg:$0x0] =	wrdreg $0xFFFFFFFF;
	(pc) =	sbr.abs _section_cstart, $3  }
0xc1: {  	[dreg:$0x1] =	wrdreg $0xFFFFFFFF  }
0xc2: {  	_ =	task.clear_ibuf [dreg:s7], $0x2FFFF;
	_ =	strace $0x9FFFFFFF  }
0xc3: {  	(tm) =	ssettm $0x7FFFFFFF  }
tec
execute0_lowered:
.L_overlay_start_1:
0x0: {  	(tag) =	ssettag $0x1  }
0x1: {  	s1 =	rddreg [dreg:$0x0]  }
0x2: {  	s8 =	rddreg [dreg:$0x1]  }
0x3: {  	s2 =	rddreg [dreg:$0x2];
	s3 =	srdreg.scid;
	s4 =	simm.s32 $0x0  }
0x4: {  	s0 =	stileid.u32;
	s13 =	simm.s32 $0x9;
	s14 =	simm.s32 $0x50  }
0x5: {  	s15 =	simm.s32 $0x2000;
	s16 =	simm.s32 $0x80;
	s17 =	simm.s32 $0x4800  }
0x6: {  	s18 =	simm.s32 $0x100;
	s19 =	simm.s32 $0x7000;
	s20 =	simm.s32 $0x180  }
0x7: {  	s21 =	simm.s32 $0x9800;
	s22 =	simm.s32 $0x6;
	s23 =	simm.s32 $0x7  }
0x8: {  	s24 =	simm.s32 $0x8;
	s25 =	simm.s32 $0x5;
	s9 =	sand.u32 $0x1, s3  }
0x9: {  	[smem:$0x7FF] =	sst s4;
	s10 =	smul.u32 $0x14000, s0;
	s5 =	sadd.s32 $0x67A00, s8  }
0xa: {  	s6 =	sadd.s32 $0x1200, s8;
	s12 =	smul.u32 $0x50000, s0;
	s30 =	sshll.u32 s0, $0x1  }
0xb: {  	s31 =	sshll.u32 s0, $0x6;
	s7 =	smul.u32 $0x140000, s9;
	s11 =	ssub.s32 $0x2, s9  }
0xc: {  	_ =	strace $0x8000004A;
	s9 =	sor.u32 s9, s30;
	s29 =	sshrl.u32 s11, $0x1  }
0xd: {  	s12 =	sshrl.u32 s12, $0x2;
	s9 =	smul.u32 $0x5000, s9;
	s7 =	sadd.s32 s10, s7  }
0xe: {  	s11 =	ssub.s32 s11, s29;
	s12 =	sadd.s32 s12, s2;
	s10 =	sshrl.u32 s7, $0x3  }
0xf: {  	s7 =	sadd.s32 $0x15200, s8;
	s11 =	smax.u32 s11, $0x1;
	s10 =	sadd.s32 s10, s8  }
0x10: {  	s12 =	sshrl.u32 s12, $0x3;
	s8 =	sor.u32 $0x1C09, s31;
	s10 =	sadd.s32 $0x17A00, s10  }
.LBB2_1:
0x11: {  	[spmem:s12], [sflag:s8] =	dma.local [hbm:s7], $0x2800  }
0x12: {  	_ =	swait.ge [sflag:s13], $0x2800  }
0x13: {  	[sflag:s13] =	ssyncset.done $0x0  }
0x14: {  	[sflag:s13] =	ssyncadd.s32 $0xFFFFD800  }
0x15: {  	s26 =	simm.s32 $0x0;
	[bflag:$0x0] =	sbarrier.arrive $0xFFFF  }
.LBB2_2:
0x16: {  	s28 =	sshll.u32 s26, $0xC  }
0x17: {  	s28 =	sadd.s32 s9, s28  }
0x18: {  	s29 =	sshrl.u32 s28, $0x3  }
0x19: {  	s28 =	simm.s32 $0x0;
	s30 =	sadd.s32 s5, s29  }
0x1a: {  	[tilespmem:s28], [sflag:$0x9] =	stream.linear.gather [hbm4b:s30+s28], $0xC80, $0x38;
	v63 =	vld [tilespmem:$0x0]  }
0x1b: {  	_ =	swait.ge [sflag:s13], $0xC80  }
0x1c: {  	[sflag:s13] =	ssyncset.done $0x0  }
0x1d: {  	s30 =	sadd.s32 s6, s29;
	s29 =	simm.s32 $0x1000;
	[sflag:s13] =	ssyncadd.s32 $0xFFFFF380  }
0x1e: {  	[tilespmem:s29], [sflag:$0x9] =	stream.linear.gather [hbm4b:s30+s28], $0xC80, $0x38;
	v63 =	vld [tilespmem:$0x0]  }
0x1f: {  	_ =	swait.ge [sflag:s13], $0xC80  }
0x20: {  	[sflag:s13] =	ssyncset.done $0x0  }
0x21: {  	[sflag:s13] =	ssyncadd.s32 $0xFFFFF380  }
0x22: {  	[tilespmem:s15], [sflag:$0x1] =	stream.indirect.gather [hbm4b:s1+s14], $0x80, s28, s14, $0xb8;
	v63 =	vld [tilespmem:$0x0]  }
0x23: {  	_ = 	snop  }
0x24: {  	[tilespmem:s17], [sflag:$0x2] =	stream.indirect.gather [hbm4b:s1+s14], $0x80, s16, s14, $0xb8;
	v63 =	vld [tilespmem:$0x0]  }
0x25: {  	_ = 	snop  }
0x26: {  	[tilespmem:s19], [sflag:$0x3] =	stream.indirect.gather [hbm4b:s1+s14], $0x80, s18, s14, $0xb8;
	v63 =	vld [tilespmem:$0x0]  }
0x27: {  	s30 =	simm.s32 $0x200  }
0x28: {  	[tilespmem:s21], [sflag:$0x4] =	stream.indirect.gather [hbm4b:s1+s14], $0x80, s20, s14, $0xb8;
	v63 =	vld [tilespmem:$0x0]  }
.LBB2_3:
0x29: {  	s31 =	sand.u32 $0x3, s28  }
0x2a: {  	p0 =	sgt.s32 s31, $0x1  }
0x2b: {  	p1 =	seq.s32 @p0 s31, $0x2  }
0x2c: {  	p2 =	por !p1, !p0  }
0x2d: {  	s0 =	simm.s32 @!p2 $0x3  }
0x2e: {  	_ =	swait.ge @!p2 [sflag:s0], $0x2800  }
0x2f: {  	p3 =	sgt.u32 @!p2 s28, $0x14;
	[sflag:s0] =	ssyncset.done @!p2 $0x0  }
0x30: {  	s3 =	simm.s32 @!p2 $0x7000;
	[sflag:s0] =	ssyncadd.s32 @!p2 $0xFFFFD800;
	s0 =	simm.s32 @!p2 $0x50  }
0x31: {  	[spmem:s2] =	stream.indirect.scatter.add.f32 @!p2 [tilespmem:s3], [sflag:$0x7], $0x80, s29, s0, $0xb8;
	v63 =	vld [tilespmem:$0x0]  }
0x32: {  	p2 =	por @p0 p3, !p1  }
0x33: {  	p2 =	por p2, !p0  }
0x34: {  	s0 =	simm.s32 @!p2 $0x7  }
0x35: {  	_ =	swait.ge @!p2 [sflag:s0], $0x2800  }
0x36: {  	[sflag:s0] =	ssyncset.done @!p2 $0x0  }
0x37: {  	s3 =	simm.s32 @!p2 $0x7000;
	[sflag:s0] =	ssyncadd.s32 @!p2 $0xFFFFD800;
	s0 =	simm.s32 @!p2 $0x50  }
0x38: {  	[tilespmem:s3], [sflag:$0x3] =	stream.indirect.gather @!p2 [hbm4b:s1+s0], $0x80, s30, s0, $0xb8;
	v63 =	vld [tilespmem:$0x0]  }
0x39: {  	p2 =	por p1, !p0  }
0x3a: {  	s0 =	simm.s32 @!p2 $0x4  }
0x3b: {  	p3 =	sgt.u32 @!p2 s28, $0x14;
	_ =	swait.ge @!p2 [sflag:s0], $0x2800  }
0x3c: {  	s3 =	simm.s32 @!p2 $0x9800;
	p1 =	por @p0 p3, p1;
	[sflag:s0] =	ssyncset.done @!p2 $0x0  }
0x3d: {  	p1 =	por p1, !p0;
	[sflag:s0] =	ssyncadd.s32 @!p2 $0xFFFFD800;
	s0 =	simm.s32 @!p2 $0x50  }
0x3e: {  	[spmem:s2] =	stream.indirect.scatter.add.f32 @!p2 [tilespmem:s3], [sflag:$0x8], $0x80, s29, s0, $0xb8;
	v63 =	vld [tilespmem:$0x0]  }
0x3f: {  	s0 =	simm.s32 @!p1 $0x8  }
0x40: {  	_ =	swait.ge @!p1 [sflag:s0], $0x2800  }
0x41: {  	[sflag:s0] =	ssyncset.done @!p1 $0x0  }
0x42: {  	s3 =	simm.s32 @!p1 $0x9800;
	[sflag:s0] =	ssyncadd.s32 @!p1 $0xFFFFD800;
	s0 =	simm.s32 @!p1 $0x50  }
0x43: {  	[tilespmem:s3], [sflag:$0x4] =	stream.indirect.gather @!p1 [hbm4b:s1+s0], $0x80, s30, s0, $0xb8;
	v63 =	vld [tilespmem:$0x0]  }
0x44: {  	p1 =	seq.s32 @!p0 s31, $0x0  }
0x45: {  	p2 =	por !p1, p0  }
0x46: {  	s0 =	simm.s32 @!p2 $0x1  }
0x47: {  	_ =	swait.ge @!p2 [sflag:s0], $0x2800  }
0x48: {  	p3 =	sgt.u32 @!p2 s28, $0x14;
	[sflag:s0] =	ssyncset.done @!p2 $0x0  }
0x49: {  	s3 =	simm.s32 @!p2 $0x2000;
	[sflag:s0] =	ssyncadd.s32 @!p2 $0xFFFFD800;
	s0 =	simm.s32 @!p2 $0x50  }
0x4a: {  	[spmem:s2] =	stream.indirect.scatter.add.f32 @!p2 [tilespmem:s3], [sflag:$0x5], $0x80, s29, s0, $0xb8;
	v63 =	vld [tilespmem:$0x0]  }
0x4b: {  	p2 =	por @!p0 p3, !p1  }
0x4c: {  	p2 =	por p2, p0  }
0x4d: {  	s0 =	simm.s32 @!p2 $0x5  }
0x4e: {  	_ =	swait.ge @!p2 [sflag:s0], $0x2800  }
0x4f: {  	[sflag:s0] =	ssyncset.done @!p2 $0x0  }
0x50: {  	s3 =	simm.s32 @!p2 $0x2000;
	[sflag:s0] =	ssyncadd.s32 @!p2 $0xFFFFD800;
	s0 =	simm.s32 @!p2 $0x50  }
0x51: {  	[tilespmem:s3], [sflag:$0x1] =	stream.indirect.gather @!p2 [hbm4b:s1+s0], $0x80, s30, s0, $0xb8;
	v63 =	vld [tilespmem:$0x0]  }
0x52: {  	p2 =	por p1, p0  }
0x53: {  	s0 =	simm.s32 @!p2 $0x2  }
0x54: {  	p3 =	sgt.u32 @!p2 s28, $0x14;
	_ =	swait.ge @!p2 [sflag:s0], $0x2800  }
0x55: {  	s3 =	simm.s32 @!p2 $0x4800;
	p1 =	por @!p0 p3, p1;
	[sflag:s0] =	ssyncset.done @!p2 $0x0  }
0x56: {  	p0 =	por p1, p0;
	[sflag:s0] =	ssyncadd.s32 @!p2 $0xFFFFD800;
	s0 =	simm.s32 @!p2 $0x50  }
0x57: {  	[spmem:s2] =	stream.indirect.scatter.add.f32 @!p2 [tilespmem:s3], [sflag:$0x6], $0x80, s29, s0, $0xb8;
	v63 =	vld [tilespmem:$0x0]  }
0x58: {  	s0 =	simm.s32 @!p0 $0x6  }
0x59: {  	_ =	swait.ge @!p0 [sflag:s0], $0x2800  }
0x5a: {  	s28 =	sadd.s32 $0x1, s28;
	[sflag:s0] =	ssyncset.done @!p0 $0x0  }
0x5b: {  	s3 =	simm.s32 @!p0 $0x4800;
	[sflag:s0] =	ssyncadd.s32 @!p0 $0xFFFFD800;
	s0 =	simm.s32 @!p0 $0x50  }
0x5c: {  	[tilespmem:s3], [sflag:$0x2] =	stream.indirect.gather @!p0 [hbm4b:s1+s0], $0x80, s30, s0, $0xb8;
	v63 =	vld [tilespmem:$0x0]  }
0x5d: {  	p0 =	sne.s32 s28, $0x19  }
.Ltmp0:
0x5e: {  	_ = 	snop;
	(pc) =	sbr.rel @p0 .LBB2_3-.Ltmp0, $2  }
0x5f: {  	_ =	sdelay $0x2  }
0x60: {  	s29 =	sadd.s32 $0x80, s29;
	s30 =	sadd.s32 $0x80, s30  }
0x61: {  	_ =	swait.ge [sflag:s22], $0x2800  }
0x62: {  	[sflag:s22] =	ssyncset.done $0x0  }
0x63: {  	[sflag:s22] =	ssyncadd.s32 $0xFFFFD800  }
0x64: {  	_ =	swait.ge [sflag:s23], $0x2800  }
0x65: {  	[sflag:s23] =	ssyncset.done $0x0  }
0x66: {  	s26 =	sadd.s32 $0x1, s26;
	[sflag:s23] =	ssyncadd.s32 $0xFFFFD800  }
0x67: {  	p0 =	sne.s32 s26, $0x5;
	_ =	swait.ge [sflag:s24], $0x2800  }
.Ltmp1:
0x68: {  	[sflag:s24] =	ssyncset.done $0x0;
	(pc) =	sbr.rel @p0 .LBB2_2-.Ltmp1, $4  }
0x69: {  	[sflag:s24] =	ssyncadd.s32 $0xFFFFD800  }
0x6a: {  	_ =	swait.ge [sflag:s25], $0x2800  }
0x6b: {  	[sflag:s25] =	ssyncset.done $0x0  }
0x6c: {  	[sflag:s25] =	ssyncadd.s32 $0xFFFFD800  }
0x6d: {  	s4 =	sadd.s32 $0x1, s4  }
0x6e: {  	p0 =	sne.s32 s4, s11  }
.Ltmp2:
0x6f: {  	[bflag:$0x0] =	sbarrier.arrive $0xFFFF;
	(pc) =	sbr.rel @p0 .LBB2_1-.Ltmp2, $4  }
0x70: {  	[hbm:s10], [sflag:s8] =	dma.local [spmem:s12], $0x2800  }
0x71: {  	_ =	swait.ge [sflag:s13], $0x2800  }
0x72: {  	[sflag:s13] =	ssyncset.done $0x0  }
0x73: {  	[sflag:s13] =	ssyncadd.s32 $0xFFFFD800  }
0x74: {  	_ =	sfence.sel $0x180000  }
0x75: {  	[bflag:$0x0] =	sbarrier.arrive $0xFFFF  }
0x76: {  	_ =	strace $0x9000004A  }
0x77: {  	s0 =	stileid.u32;
	[bflag:$0x2] =	sbarrier.arrive $0xFFFF  }
0x78: {  	p0 =	sne.s32 s0, $0x0;
	s0 =	rddreg [dreg:$0x3]  }
0x79: {  	s0 =	sadd.s32 @!p0 $0x100000, s0  }
0x7a: {  	[sflag:s0] =	ssyncadd.tile.s32 @!p0 $0x1;
	_ =	shalt  }
.Lfunc_end2:
_tile_overlayer_lowered:
.L_overlay_start_2:
0x7b: {  	(tag) =	ssettag $0x2  }
0x7c: {  	s0 =	rddreg [dreg:$0x0];
	s2 =	stileid.u32  }
0x7d: {  	s1 =	rddreg [dreg:$0x1];
	p0 =	sne.s32 s2, $0x0  }
0x7e: {  	s3 =	rddreg [dreg:$0x2];
	[bflag:$0x3] =	sbarrier.arrive $0xFFFF;
	s2 =	simm.s32 @!p0 $0x1C09  }
0x7f: {  	[timem:s3], [sflag:s2] =	dma.local @!p0 [hbm:s0], s1  }
0x80: {  	s0 =	simm.s32 @!p0 $0x9  }
0x81: {  	_ =	swait.ge @!p0 [sflag:s0], s1  }
0x82: {  	s1 =	ssub.s32 @!p0 $0x0, s1;
	[sflag:s0] =	ssyncset.done @!p0 $0x0  }
0x83: {  	[sflag:s0] =	ssyncadd.s32 @!p0 s1  }
0x84: {  	[bflag:$0x3] =	sbarrier.arrive $0xFFFF  }
0x85: {  	_ =	shalt  }

</sc_bundles>
